<compile_context>
chip_gen: v7x
topology: tpu7x:2x2x1
jax: 0.10.2.dev20260603
libtpu: 0.0.44.dev20260713+nightly
codegen_flags: <defaults>
</compile_context>

<pallas_src>
import functools

import jax
import jax.numpy as jnp
from jax import lax
from jax.experimental import pallas as pl
from jax.experimental.pallas import tpu as pltpu
from jax.experimental.pallas import tpu_sc as plsc

B = 16
N = 2048
K = 16384
L = 16
BLK = 128
NBLK = N // BLK
K_HALF = K // 2



def _diag_body(t_hbm, out_hbm, buf, diag_v, sem_in, sem_out):
    in_cps = []
    for j in range(NBLK):
        cp = pltpu.make_async_copy(
            t_hbm.at[:, pl.ds(BLK * j, BLK), pl.ds(BLK * j, BLK)],
            buf.at[j], sem_in)
        cp.start()
        in_cps.append(cp)

    ii = lax.broadcasted_iota(jnp.int32, (BLK, BLK), 0)
    jj = lax.broadcasted_iota(jnp.int32, (BLK, BLK), 1)
    eq = (ii == jj)[None]
    for j in range(NBLK):
        in_cps[j].wait()
        blk = buf[j]
        diag_v[:, pl.ds(BLK * j, BLK)] = jnp.sum(jnp.where(eq, blk, 0.0),
                                                 axis=1)

    out_cps = []
    for b in range(B):
        cp = pltpu.make_async_copy(diag_v.at[b], out_hbm.at[pl.ds(N * b, N)],
                                   sem_out)
        cp.start()
        out_cps.append(cp)
    for cp in out_cps:
        cp.wait()


_diag_extract = pl.pallas_call(
    _diag_body,
    in_specs=[pl.BlockSpec(memory_space=pl.ANY)],
    out_specs=pl.BlockSpec(memory_space=pl.ANY),
    out_shape=jax.ShapeDtypeStruct((B * N,), jnp.float32),
    scratch_shapes=[
        pltpu.VMEM((NBLK, B, BLK, BLK), jnp.float32),
        pltpu.VMEM((B, N), jnp.float32),
        pltpu.SemaphoreType.DMA,
        pltpu.SemaphoreType.DMA,
    ],
)



def _sc_body(diag_hbm, idx_hbm, out_hbm, diag_v, idx_v, out_v):
    c = lax.axis_index("c")
    s = lax.axis_index("s")

    pltpu.sync_copy(diag_hbm.at[pl.ds(s * N, N)], diag_v)
    base = c * K_HALF
    pltpu.sync_copy(idx_hbm.at[pl.ds(base, K_HALF)], idx_v)

    @plsc.parallel_loop(0, K_HALF // L, unroll=8)
    def gat(g):
        o = g * L
        iv = idx_v[pl.ds(o, L)]
        out_v[pl.ds(o, L)] = plsc.load_gather(diag_v, [iv])

    pltpu.sync_copy(out_v, out_hbm.at[s, pl.ds(base, K_HALF)])


_sc_lookup = functools.partial(
    pl.kernel,
    out_type=jax.ShapeDtypeStruct((B, K), jnp.float32),
    mesh=plsc.VectorSubcoreMesh(core_axis_name="c", subcore_axis_name="s"),
    compiler_params=pltpu.CompilerParams(needs_layout_passes=False),
    scratch_types=[
        pltpu.VMEM((N,), jnp.float32),
        pltpu.VMEM((K_HALF,), jnp.int32),
        pltpu.VMEM((K_HALF,), jnp.float32),
    ],
)(_sc_body)


def kernel(t, idx):
    diag = _diag_extract(t)
    return _sc_lookup(diag, idx.astype(jnp.int32))

# --- scband reference (transcript-rebuilt; emitter-appended) ---
"""Pipeline reference for scband-index-model6-34153579938281 (READ-ONLY COPY).

The authoritative reference and input builder live on the scoring server;
editing this copy changes nothing except your own understanding.
"""

import jax, jax.numpy as jnp
import numpy as np

def setup_inputs(seed: int = 0) -> dict:
    key = jax.random.key(seed)
    k1, k2 = jax.random.split(key)
    t = jax.random.normal(k1, (16, 2048, 2048), dtype=jnp.float32)
    idx = jax.random.randint(k2, (16384,), 0, 2048, dtype=jnp.int64 if jax.config.jax_enable_x64 else jnp.int32)
    return {"t": t, "idx": idx}

def reference(t, idx):
    # torch: t[:, idx, idx] -> advanced indexing on dims 1 and 2 with the same index
    # result shape [B, K]: out[b, k] = t[b, idx[k], idx[k]]
    return t[:, idx, idx]

if __name__ == "__main__":
    import jax
    _d = setup_inputs()
    print(jax.jit(kernel)(*tuple(_d.values())))

</pallas_src>

<mosaic_0001>
#map = affine_map<(d0, d1) -> (0)>
#map1 = affine_map<(d0, d1) -> (0, 0)>
module attributes {stable_mosaic.version = 14 : i64} {
  func.func @_sc_body(%arg0: i32, %arg1: i32, %arg2: memref<32768xf32, #tpu.memory_space<hbm>>, %arg3: memref<16384xi32, #tpu.memory_space<hbm>>, %arg4: memref<16x16384xf32, #tpu.memory_space<hbm>>, %arg5: memref<2048xf32, #tpu.memory_space<vmem>>, %arg6: memref<8192xi32, #tpu.memory_space<vmem>>, %arg7: memref<8192xf32, #tpu.memory_space<vmem>>) attributes {dimension_semantics = [#tpu.dimension_semantics<core_parallel>, #tpu.dimension_semantics<subcore_parallel>], iteration_bounds = array<i64: 2, 16>, scalar_prefetch = 0 : i64, scratch_operands = 3 : i64, tpu.core_type = #tpu.core_type<sc_vector_subcore>, window_params = [{transform_indices = #map}, {transform_indices = #map}, {transform_indices = #map1}]} {
    %mul3A = arith.constant 2048 : i32
    %mul3A_0 = arith.muli %arg1, %mul3A : i32
    "tpu.region"() ({
      %run_scoped3A = tpu.sem_alloc : memref<!tpu.dma_semaphore, #tpu.memory_space<semaphore_mem>>
      %dma_start3A = tpu.memref_slice %arg2[%mul3A_0] : memref<32768xf32, #tpu.memory_space<hbm>> -> memref<2048xf32, #tpu.memory_space<hbm>>
      %dma_start3A_5 = tpu.memref_slice %arg2[%mul3A_0] : memref<32768xf32, #tpu.memory_space<hbm>> -> memref<2048xf32, #tpu.memory_space<hbm>>
      tpu.enqueue_dma source(%dma_start3A_5 : memref<2048xf32, #tpu.memory_space<hbm>>) target(%arg5 : memref<2048xf32, #tpu.memory_space<vmem>>) target_semaphore(%run_scoped3A : memref<!tpu.dma_semaphore, #tpu.memory_space<semaphore_mem>>)
      %dma_wait3A = tpu.memref_slice %arg2[%mul3A_0] : memref<32768xf32, #tpu.memory_space<hbm>> -> memref<2048xf32, #tpu.memory_space<hbm>>
      %dma_wait3A_6 = tpu.memref_slice %arg2[%mul3A_0] : memref<32768xf32, #tpu.memory_space<hbm>> -> memref<2048xf32, #tpu.memory_space<hbm>>
      tpu.wait_dma2 semaphore(%run_scoped3A : memref<!tpu.dma_semaphore, #tpu.memory_space<semaphore_mem>>) src(%dma_wait3A_6 : memref<2048xf32, #tpu.memory_space<hbm>>) dst(%arg5 : memref<2048xf32, #tpu.memory_space<vmem>>)
      tpu.yield
    }) : () -> ()
    %mul3A_1 = arith.constant 8192 : i32
    %mul3A_2 = arith.muli %arg0, %mul3A_1 : i32
    "tpu.region"() ({
      %run_scoped3A = tpu.sem_alloc : memref<!tpu.dma_semaphore, #tpu.memory_space<semaphore_mem>>
      %dma_start3A = tpu.memref_slice %arg3[%mul3A_2] : memref<16384xi32, #tpu.memory_space<hbm>> -> memref<8192xi32, #tpu.memory_space<hbm>>
      %dma_start3A_5 = tpu.memref_slice %arg3[%mul3A_2] : memref<16384xi32, #tpu.memory_space<hbm>> -> memref<8192xi32, #tpu.memory_space<hbm>>
      tpu.enqueue_dma source(%dma_start3A_5 : memref<8192xi32, #tpu.memory_space<hbm>>) target(%arg6 : memref<8192xi32, #tpu.memory_space<vmem>>) target_semaphore(%run_scoped3A : memref<!tpu.dma_semaphore, #tpu.memory_space<semaphore_mem>>)
      %dma_wait3A = tpu.memref_slice %arg3[%mul3A_2] : memref<16384xi32, #tpu.memory_space<hbm>> -> memref<8192xi32, #tpu.memory_space<hbm>>
      %dma_wait3A_6 = tpu.memref_slice %arg3[%mul3A_2] : memref<16384xi32, #tpu.memory_space<hbm>> -> memref<8192xi32, #tpu.memory_space<hbm>>
      tpu.wait_dma2 semaphore(%run_scoped3A : memref<!tpu.dma_semaphore, #tpu.memory_space<semaphore_mem>>) src(%dma_wait3A_6 : memref<8192xi32, #tpu.memory_space<hbm>>) dst(%arg6 : memref<8192xi32, #tpu.memory_space<vmem>>)
      tpu.yield
    }) : () -> ()
    %parallel_loop3A = arith.constant 0 : i32
    %parallel_loop3A_3 = arith.constant 512 : i32
    %parallel_loop3A_4 = arith.constant 1 : i32
    scf.for %parallel_loop3A_5 = %parallel_loop3A to %parallel_loop3A_3 step %parallel_loop3A_4  : i32 {
      %parallel_loop3A_6 = arith.constant 16 : i32
      %parallel_loop3A_7 = arith.muli %parallel_loop3A_5, %parallel_loop3A_6 : i32
      %parallel_loop3A_8 = arith.index_cast %parallel_loop3A_7 : i32 to index
      %parallel_loop3A_9 = tpu.vector_load %arg6[%parallel_loop3A_8] {strides = array<i32>} : memref<8192xi32, #tpu.memory_space<vmem>>, vector<16xi32>,
      %parallel_loop3A_10 = tpu.vector_load_idx %arg5[%parallel_loop3A_9] : memref<2048xf32, #tpu.memory_space<vmem>>[vector<16xi32>], vector<16xf32>,
      %parallel_loop3A_11 = arith.index_cast %parallel_loop3A_7 : i32 to index
      %parallel_loop3A_12 = tpu.vector_load %arg7[%parallel_loop3A_11] {strides = array<i32>} : memref<8192xf32, #tpu.memory_space<vmem>>, vector<16xf32>,
      tpu.vector_store %arg7[%parallel_loop3A_11], %parallel_loop3A_10 {strides = array<i32>} : memref<8192xf32, #tpu.memory_space<vmem>>, vector<16xf32>,
    } {sc.loop_unroll_factor = 8 : i64, sc.parallel_access}
    "tpu.region"() ({
      %run_scoped3A = tpu.sem_alloc : memref<!tpu.dma_semaphore, #tpu.memory_space<semaphore_mem>>
      %dma_start3A = tpu.memref_slice %arg4[%arg1, %mul3A_2] : memref<16x16384xf32, #tpu.memory_space<hbm>> -> memref<1x8192xf32, #tpu.memory_space<hbm>>
      %dma_start3A_5 = tpu.memref_squeeze %dma_start3A : memref<1x8192xf32, #tpu.memory_space<hbm>> -> memref<8192xf32, #tpu.memory_space<hbm>>
      %dma_start3A_6 = tpu.memref_slice %arg4[%arg1, %mul3A_2] : memref<16x16384xf32, #tpu.memory_space<hbm>> -> memref<1x8192xf32, #tpu.memory_space<hbm>>
      %dma_start3A_7 = tpu.memref_squeeze %dma_start3A_6 : memref<1x8192xf32, #tpu.memory_space<hbm>> -> memref<8192xf32, #tpu.memory_space<hbm>>
      tpu.enqueue_dma source(%arg7 : memref<8192xf32, #tpu.memory_space<vmem>>) target(%dma_start3A_7 : memref<8192xf32, #tpu.memory_space<hbm>>) target_semaphore(%run_scoped3A : memref<!tpu.dma_semaphore, #tpu.memory_space<semaphore_mem>>)
      %dma_wait3A = tpu.memref_slice %arg4[%arg1, %mul3A_2] : memref<16x16384xf32, #tpu.memory_space<hbm>> -> memref<1x8192xf32, #tpu.memory_space<hbm>>
      %dma_wait3A_8 = tpu.memref_squeeze %dma_wait3A : memref<1x8192xf32, #tpu.memory_space<hbm>> -> memref<8192xf32, #tpu.memory_space<hbm>>
      %dma_wait3A_9 = tpu.memref_slice %arg4[%arg1, %mul3A_2] : memref<16x16384xf32, #tpu.memory_space<hbm>> -> memref<1x8192xf32, #tpu.memory_space<hbm>>
      %dma_wait3A_10 = tpu.memref_squeeze %dma_wait3A_9 : memref<1x8192xf32, #tpu.memory_space<hbm>> -> memref<8192xf32, #tpu.memory_space<hbm>>
      tpu.wait_dma2 semaphore(%run_scoped3A : memref<!tpu.dma_semaphore, #tpu.memory_space<semaphore_mem>>) src(%arg7 : memref<8192xf32, #tpu.memory_space<vmem>>) dst(%dma_wait3A_10 : memref<8192xf32, #tpu.memory_space<hbm>>)
      tpu.yield
    }) : () -> ()
    return
  }
}

module attributes {stable_mosaic.version = 14 : i64} {
  func.func @_diag_body(%arg0: memref<16x2048x2048xf32, #tpu.memory_space<any>>, %arg1: memref<32768xf32, #tpu.memory_space<any>>, %arg2: memref<16x16x128x128xf32, #tpu.memory_space<vmem>>, %arg3: memref<16x2048xf32, #tpu.memory_space<vmem>>, %arg4: memref<!tpu.dma_semaphore, #tpu.memory_space<semaphore_mem>>, %arg5: memref<!tpu.dma_semaphore, #tpu.memory_space<semaphore_mem>>) attributes {dimension_semantics = [], scalar_prefetch = 0 : i64, scratch_operands = 4 : i64, tpu.core_type = #tpu.core_type<tc>} {
    %dma_start3A = arith.constant 0 : i32
    %dma_start3A_0 = arith.constant 0 : i32
    %dma_start3A_1 = arith.constant 0 : i32
    %dma_start3A_2 = arith.constant 0 : i32
    %dma_start3A_3 = tpu.memref_slice %arg2[%dma_start3A, %dma_start3A_0, %dma_start3A_1, %dma_start3A_2] : memref<16x16x128x128xf32, #tpu.memory_space<vmem>> -> memref<1x16x128x128xf32, #tpu.memory_space<vmem>>
    %dma_start3A_4 = tpu.memref_squeeze %dma_start3A_3 : memref<1x16x128x128xf32, #tpu.memory_space<vmem>> -> memref<16x128x128xf32, #tpu.memory_space<vmem>>
    %dma_start3A_5 = arith.constant 0 : i32
    %dma_start3A_6 = arith.constant 0 : i32
    %dma_start3A_7 = arith.constant 0 : i32
    %dma_start3A_8 = tpu.memref_slice %arg0[%dma_start3A_5, %dma_start3A_6, %dma_start3A_7] : memref<16x2048x2048xf32, #tpu.memory_space<any>> -> memref<16x128x128xf32, #tpu.memory_space<any>>
    tpu.enqueue_dma source(%dma_start3A_8 : memref<16x128x128xf32, #tpu.memory_space<any>>) target(%dma_start3A_4 : memref<16x128x128xf32, #tpu.memory_space<vmem>>) target_semaphore(%arg4 : memref<!tpu.dma_semaphore, #tpu.memory_space<semaphore_mem>>)
    %dma_start3A_9 = arith.constant 1 : i32
    %dma_start3A_10 = arith.constant 0 : i32
    %dma_start3A_11 = arith.constant 0 : i32
    %dma_start3A_12 = arith.constant 0 : i32
    %dma_start3A_13 = tpu.memref_slice %arg2[%dma_start3A_9, %dma_start3A_10, %dma_start3A_11, %dma_start3A_12] : memref<16x16x128x128xf32, #tpu.memory_space<vmem>> -> memref<1x16x128x128xf32, #tpu.memory_space<vmem>>
    %dma_start3A_14 = tpu.memref_squeeze %dma_start3A_13 : memref<1x16x128x128xf32, #tpu.memory_space<vmem>> -> memref<16x128x128xf32, #tpu.memory_space<vmem>>
    %dma_start3A_15 = arith.constant 0 : i32
    %dma_start3A_16 = arith.constant 128 : i32
    %dma_start3A_17 = arith.constant 128 : i32
    %dma_start3A_18 = tpu.memref_slice %arg0[%dma_start3A_15, %dma_start3A_16, %dma_start3A_17] : memref<16x2048x2048xf32, #tpu.memory_space<any>> -> memref<16x128x128xf32, #tpu.memory_space<any>>
    tpu.enqueue_dma source(%dma_start3A_18 : memref<16x128x128xf32, #tpu.memory_space<any>>) target(%dma_start3A_14 : memref<16x128x128xf32, #tpu.memory_space<vmem>>) target_semaphore(%arg4 : memref<!tpu.dma_semaphore, #tpu.memory_space<semaphore_mem>>)
    %dma_start3A_19 = arith.constant 2 : i32
    %dma_start3A_20 = arith.constant 0 : i32
    %dma_start3A_21 = arith.constant 0 : i32
    %dma_start3A_22 = arith.constant 0 : i32
    %dma_start3A_23 = tpu.memref_slice %arg2[%dma_start3A_19, %dma_start3A_20, %dma_start3A_21, %dma_start3A_22] : memref<16x16x128x128xf32, #tpu.memory_space<vmem>> -> memref<1x16x128x128xf32, #tpu.memory_space<vmem>>
    %dma_start3A_24 = tpu.memref_squeeze %dma_start3A_23 : memref<1x16x128x128xf32, #tpu.memory_space<vmem>> -> memref<16x128x128xf32, #tpu.memory_space<vmem>>
    %dma_start3A_25 = arith.constant 0 : i32
    %dma_start3A_26 = arith.constant 256 : i32
    %dma_start3A_27 = arith.constant 256 : i32
    %dma_start3A_28 = tpu.memref_slice %arg0[%dma_start3A_25, %dma_start3A_26, %dma_start3A_27] : memref<16x2048x2048xf32, #tpu.memory_space<any>> -> memref<16x128x128xf32, #tpu.memory_space<any>>
    tpu.enqueue_dma source(%dma_start3A_28 : memref<16x128x128xf32, #tpu.memory_space<any>>) target(%dma_start3A_24 : memref<16x128x128xf32, #tpu.memory_space<vmem>>) target_semaphore(%arg4 : memref<!tpu.dma_semaphore, #tpu.memory_space<semaphore_mem>>)
    %dma_start3A_29 = arith.constant 3 : i32
    %dma_start3A_30 = arith.constant 0 : i32
    %dma_start3A_31 = arith.constant 0 : i32
    %dma_start3A_32 = arith.constant 0 : i32
    %dma_start3A_33 = tpu.memref_slice %arg2[%dma_start3A_29, %dma_start3A_30, %dma_start3A_31, %dma_start3A_32] : memref<16x16x128x128xf32, #tpu.memory_space<vmem>> -> memref<1x16x128x128xf32, #tpu.memory_space<vmem>>
    %dma_start3A_34 = tpu.memref_squeeze %dma_start3A_33 : memref<1x16x128x128xf32, #tpu.memory_space<vmem>> -> memref<16x128x128xf32, #tpu.memory_space<vmem>>
    %dma_start3A_35 = arith.constant 0 : i32
    %dma_start3A_36 = arith.constant 384 : i32
    %dma_start3A_37 = arith.constant 384 : i32
    %dma_start3A_38 = tpu.memref_slice %arg0[%dma_start3A_35, %dma_start3A_36, %dma_start3A_37] : memref<16x2048x2048xf32, #tpu.memory_space<any>> -> memref<16x128x128xf32, #tpu.memory_space<any>>
    tpu.enqueue_dma source(%dma_start3A_38 : memref<16x128x128xf32, #tpu.memory_space<any>>) target(%dma_start3A_34 : memref<16x128x128xf32, #tpu.memory_space<vmem>>) target_semaphore(%arg4 : memref<!tpu.dma_semaphore, #tpu.memory_space<semaphore_mem>>)
    %dma_start3A_39 = arith.constant 4 : i32
    %dma_start3A_40 = arith.constant 0 : i32
    %dma_start3A_41 = arith.constant 0 : i32
    %dma_start3A_42 = arith.constant 0 : i32
    %dma_start3A_43 = tpu.memref_slice %arg2[%dma_start3A_39, %dma_start3A_40, %dma_start3A_41, %dma_start3A_42] : memref<16x16x128x128xf32, #tpu.memory_space<vmem>> -> memref<1x16x128x128xf32, #tpu.memory_space<vmem>>
    %dma_start3A_44 = tpu.memref_squeeze %dma_start3A_43 : memref<1x16x128x128xf32, #tpu.memory_space<vmem>> -> memref<16x128x128xf32, #tpu.memory_space<vmem>>
    %dma_start3A_45 = arith.constant 0 : i32
    %dma_start3A_46 = arith.constant 512 : i32
    %dma_start3A_47 = arith.constant 512 : i32
    %dma_start3A_48 = tpu.memref_slice %arg0[%dma_start3A_45, %dma_start3A_46, %dma_start3A_47] : memref<16x2048x2048xf32, #tpu.memory_space<any>> -> memref<16x128x128xf32, #tpu.memory_space<any>>
    tpu.enqueue_dma source(%dma_start3A_48 : memref<16x128x128xf32, #tpu.memory_space<any>>) target(%dma_start3A_44 : memref<16x128x128xf32, #tpu.memory_space<vmem>>) target_semaphore(%arg4 : memref<!tpu.dma_semaphore, #tpu.memory_space<semaphore_mem>>)
    %dma_start3A_49 = arith.constant 5 : i32
    %dma_start3A_50 = arith.constant 0 : i32
    %dma_start3A_51 = arith.constant 0 : i32
    %dma_start3A_52 = arith.constant 0 : i32
    %dma_start3A_53 = tpu.memref_slice %arg2[%dma_start3A_49, %dma_start3A_50, %dma_start3A_51, %dma_start3A_52] : memref<16x16x128x128xf32, #tpu.memory_space<vmem>> -> memref<1x16x128x128xf32, #tpu.memory_space<vmem>>
    %dma_start3A_54 = tpu.memref_squeeze %dma_start3A_53 : memref<1x16x128x128xf32, #tpu.memory_space<vmem>> -> memref<16x128x128xf32, #tpu.memory_space<vmem>>
    %dma_start3A_55 = arith.constant 0 : i32
    %dma_start3A_56 = arith.constant 640 : i32
    %dma_start3A_57 = arith.constant 640 : i32
    %dma_start3A_58 = tpu.memref_slice %arg0[%dma_start3A_55, %dma_start3A_56, %dma_start3A_57] : memref<16x2048x2048xf32, #tpu.memory_space<any>> -> memref<16x128x128xf32, #tpu.memory_space<any>>
    tpu.enqueue_dma source(%dma_start3A_58 : memref<16x128x128xf32, #tpu.memory_space<any>>) target(%dma_start3A_54 : memref<16x128x128xf32, #tpu.memory_space<vmem>>) target_semaphore(%arg4 : memref<!tpu.dma_semaphore, #tpu.memory_space<semaphore_mem>>)
    %dma_start3A_59 = arith.constant 6 : i32
    %dma_start3A_60 = arith.constant 0 : i32
    %dma_start3A_61 = arith.constant 0 : i32
    %dma_start3A_62 = arith.constant 0 : i32
    %dma_start3A_63 = tpu.memref_slice %arg2[%dma_start3A_59, %dma_start3A_60, %dma_start3A_61, %dma_start3A_62] : memref<16x16x128x128xf32, #tpu.memory_space<vmem>> -> memref<1x16x128x128xf32, #tpu.memory_space<vmem>>
    %dma_start3A_64 = tpu.memref_squeeze %dma_start3A_63 : memref<1x16x128x128xf32, #tpu.memory_space<vmem>> -> memref<16x128x128xf32, #tpu.memory_space<vmem>>
    %dma_start3A_65 = arith.constant 0 : i32
    %dma_start3A_66 = arith.constant 768 : i32
    %dma_start3A_67 = arith.constant 768 : i32
    %dma_start3A_68 = tpu.memref_slice %arg0[%dma_start3A_65, %dma_start3A_66, %dma_start3A_67] : memref<16x2048x2048xf32, #tpu.memory_space<any>> -> memref<16x128x128xf32, #tpu.memory_space<any>>
    tpu.enqueue_dma source(%dma_start3A_68 : memref<16x128x128xf32, #tpu.memory_space<any>>) target(%dma_start3A_64 : memref<16x128x128xf32, #tpu.memory_space<vmem>>) target_semaphore(%arg4 : memref<!tpu.dma_semaphore, #tpu.memory_space<semaphore_mem>>)
    %dma_start3A_69 = arith.constant 7 : i32
    %dma_start3A_70 = arith.constant 0 : i32
    %dma_start3A_71 = arith.constant 0 : i32
    %dma_start3A_72 = arith.constant 0 : i32
    %dma_start3A_73 = tpu.memref_slice %arg2[%dma_start3A_69, %dma_start3A_70, %dma_start3A_71, %dma_start3A_72] : memref<16x16x128x128xf32, #tpu.memory_space<vmem>> -> memref<1x16x128x128xf32, #tpu.memory_space<vmem>>
    %dma_start3A_74 = tpu.memref_squeeze %dma_start3A_73 : memref<1x16x128x128xf32, #tpu.memory_space<vmem>> -> memref<16x128x128xf32, #tpu.memory_space<vmem>>
    %dma_start3A_75 = arith.constant 0 : i32
    %dma_start3A_76 = arith.constant 896 : i32
    %dma_start3A_77 = arith.constant 896 : i32
    %dma_start3A_78 = tpu.memref_slice %arg0[%dma_start3A_75, %dma_start3A_76, %dma_start3A_77] : memref<16x2048x2048xf32, #tpu.memory_space<any>> -> memref<16x128x128xf32, #tpu.memory_space<any>>
    tpu.enqueue_dma source(%dma_start3A_78 : memref<16x128x128xf32, #tpu.memory_space<any>>) target(%dma_start3A_74 : memref<16x128x128xf32, #tpu.memory_space<vmem>>) target_semaphore(%arg4 : memref<!tpu.dma_semaphore, #tpu.memory_space<semaphore_mem>>)
    %dma_start3A_79 = arith.constant 8 : i32
    %dma_start3A_80 = arith.constant 0 : i32
    %dma_start3A_81 = arith.constant 0 : i32
    %dma_start3A_82 = arith.constant 0 : i32
    %dma_start3A_83 = tpu.memref_slice %arg2[%dma_start3A_79, %dma_start3A_80, %dma_start3A_81, %dma_start3A_82] : memref<16x16x128x128xf32, #tpu.memory_space<vmem>> -> memref<1x16x128x128xf32, #tpu.memory_space<vmem>>
    %dma_start3A_84 = tpu.memref_squeeze %dma_start3A_83 : memref<1x16x128x128xf32, #tpu.memory_space<vmem>> -> memref<16x128x128xf32, #tpu.memory_space<vmem>>
    %dma_start3A_85 = arith.constant 0 : i32
    %dma_start3A_86 = arith.constant 1024 : i32
    %dma_start3A_87 = arith.constant 1024 : i32
    %dma_start3A_88 = tpu.memref_slice %arg0[%dma_start3A_85, %dma_start3A_86, %dma_start3A_87] : memref<16x2048x2048xf32, #tpu.memory_space<any>> -> memref<16x128x128xf32, #tpu.memory_space<any>>
    tpu.enqueue_dma source(%dma_start3A_88 : memref<16x128x128xf32, #tpu.memory_space<any>>) target(%dma_start3A_84 : memref<16x128x128xf32, #tpu.memory_space<vmem>>) target_semaphore(%arg4 : memref<!tpu.dma_semaphore, #tpu.memory_space<semaphore_mem>>)
    %dma_start3A_89 = arith.constant 9 : i32
    %dma_start3A_90 = arith.constant 0 : i32
    %dma_start3A_91 = arith.constant 0 : i32
    %dma_start3A_92 = arith.constant 0 : i32
    %dma_start3A_93 = tpu.memref_slice %arg2[%dma_start3A_89, %dma_start3A_90, %dma_start3A_91, %dma_start3A_92] : memref<16x16x128x128xf32, #tpu.memory_space<vmem>> -> memref<1x16x128x128xf32, #tpu.memory_space<vmem>>
    %dma_start3A_94 = tpu.memref_squeeze %dma_start3A_93 : memref<1x16x128x128xf32, #tpu.memory_space<vmem>> -> memref<16x128x128xf32, #tpu.memory_space<vmem>>
    %dma_start3A_95 = arith.constant 0 : i32
    %dma_start3A_96 = arith.constant 1152 : i32
    %dma_start3A_97 = arith.constant 1152 : i32
    %dma_start3A_98 = tpu.memref_slice %arg0[%dma_start3A_95, %dma_start3A_96, %dma_start3A_97] : memref<16x2048x2048xf32, #tpu.memory_space<any>> -> memref<16x128x128xf32, #tpu.memory_space<any>>
    tpu.enqueue_dma source(%dma_start3A_98 : memref<16x128x128xf32, #tpu.memory_space<any>>) target(%dma_start3A_94 : memref<16x128x128xf32, #tpu.memory_space<vmem>>) target_semaphore(%arg4 : memref<!tpu.dma_semaphore, #tpu.memory_space<semaphore_mem>>)
    %dma_start3A_99 = arith.constant 10 : i32
    %dma_start3A_100 = arith.constant 0 : i32
    %dma_start3A_101 = arith.constant 0 : i32
    %dma_start3A_102 = arith.constant 0 : i32
    %dma_start3A_103 = tpu.memref_slice %arg2[%dma_start3A_99, %dma_start3A_100, %dma_start3A_101, %dma_start3A_102] : memref<16x16x128x128xf32, #tpu.memory_space<vmem>> -> memref<1x16x128x128xf32, #tpu.memory_space<vmem>>
    %dma_start3A_104 = tpu.memref_squeeze %dma_start3A_103 : memref<1x16x128x128xf32, #tpu.memory_space<vmem>> -> memref<16x128x128xf32, #tpu.memory_space<vmem>>
    %dma_start3A_105 = arith.constant 0 : i32
    %dma_start3A_106 = arith.constant 1280 : i32
    %dma_start3A_107 = arith.constant 1280 : i32
    %dma_start3A_108 = tpu.memref_slice %arg0[%dma_start3A_105, %dma_start3A_106, %dma_start3A_107] : memref<16x2048x2048xf32, #tpu.memory_space<any>> -> memref<16x128x128xf32, #tpu.memory_space<any>>
    tpu.enqueue_dma source(%dma_start3A_108 : memref<16x128x128xf32, #tpu.memory_space<any>>) target(%dma_start3A_104 : memref<16x128x128xf32, #tpu.memory_space<vmem>>) target_semaphore(%arg4 : memref<!tpu.dma_semaphore, #tpu.memory_space<semaphore_mem>>)
    %dma_start3A_109 = arith.constant 11 : i32
    %dma_start3A_110 = arith.constant 0 : i32
    %dma_start3A_111 = arith.constant 0 : i32
    %dma_start3A_112 = arith.constant 0 : i32
    %dma_start3A_113 = tpu.memref_slice %arg2[%dma_start3A_109, %dma_start3A_110, %dma_start3A_111, %dma_start3A_112] : memref<16x16x128x128xf32, #tpu.memory_space<vmem>> -> memref<1x16x128x128xf32, #tpu.memory_space<vmem>>
    %dma_start3A_114 = tpu.memref_squeeze %dma_start3A_113 : memref<1x16x128x128xf32, #tpu.memory_space<vmem>> -> memref<16x128x128xf32, #tpu.memory_space<vmem>>
    %dma_start3A_115 = arith.constant 0 : i32
    %dma_start3A_116 = arith.constant 1408 : i32
    %dma_start3A_117 = arith.constant 1408 : i32
    %dma_start3A_118 = tpu.memref_slice %arg0[%dma_start3A_115, %dma_start3A_116, %dma_start3A_117] : memref<16x2048x2048xf32, #tpu.memory_space<any>> -> memref<16x128x128xf32, #tpu.memory_space<any>>
    tpu.enqueue_dma source(%dma_start3A_118 : memref<16x128x128xf32, #tpu.memory_space<any>>) target(%dma_start3A_114 : memref<16x128x128xf32, #tpu.memory_space<vmem>>) target_semaphore(%arg4 : memref<!tpu.dma_semaphore, #tpu.memory_space<semaphore_mem>>)
    %dma_start3A_119 = arith.constant 12 : i32
    %dma_start3A_120 = arith.constant 0 : i32
    %dma_start3A_121 = arith.constant 0 : i32
    %dma_start3A_122 = arith.constant 0 : i32
    %dma_start3A_123 = tpu.memref_slice %arg2[%dma_start3A_119, %dma_start3A_120, %dma_start3A_121, %dma_start3A_122] : memref<16x16x128x128xf32, #tpu.memory_space<vmem>> -> memref<1x16x128x128xf32, #tpu.memory_space<vmem>>
    %dma_start3A_124 = tpu.memref_squeeze %dma_start3A_123 : memref<1x16x128x128xf32, #tpu.memory_space<vmem>> -> memref<16x128x128xf32, #tpu.memory_space<vmem>>
    %dma_start3A_125 = arith.constant 0 : i32
    %dma_start3A_126 = arith.constant 1536 : i32
    %dma_start3A_127 = arith.constant 1536 : i32
    %dma_start3A_128 = tpu.memref_slice %arg0[%dma_start3A_125, %dma_start3A_126, %dma_start3A_127] : memref<16x2048x2048xf32, #tpu.memory_space<any>> -> memref<16x128x128xf32, #tpu.memory_space<any>>
    tpu.enqueue_dma source(%dma_start3A_128 : memref<16x128x128xf32, #tpu.memory_space<any>>) target(%dma_start3A_124 : memref<16x128x128xf32, #tpu.memory_space<vmem>>) target_semaphore(%arg4 : memref<!tpu.dma_semaphore, #tpu.memory_space<semaphore_mem>>)
    %dma_start3A_129 = arith.constant 13 : i32
    %dma_start3A_130 = arith.constant 0 : i32
    %dma_start3A_131 = arith.constant 0 : i32
    %dma_start3A_132 = arith.constant 0 : i32
    %dma_start3A_133 = tpu.memref_slice %arg2[%dma_start3A_129, %dma_start3A_130, %dma_start3A_131, %dma_start3A_132] : memref<16x16x128x128xf32, #tpu.memory_space<vmem>> -> memref<1x16x128x128xf32, #tpu.memory_space<vmem>>
    %dma_start3A_134 = tpu.memref_squeeze %dma_start3A_133 : memref<1x16x128x128xf32, #tpu.memory_space<vmem>> -> memref<16x128x128xf32, #tpu.memory_space<vmem>>
    %dma_start3A_135 = arith.constant 0 : i32
    %dma_start3A_136 = arith.constant 1664 : i32
    %dma_start3A_137 = arith.constant 1664 : i32
    %dma_start3A_138 = tpu.memref_slice %arg0[%dma_start3A_135, %dma_start3A_136, %dma_start3A_137] : memref<16x2048x2048xf32, #tpu.memory_space<any>> -> memref<16x128x128xf32, #tpu.memory_space<any>>
    tpu.enqueue_dma source(%dma_start3A_138 : memref<16x128x128xf32, #tpu.memory_space<any>>) target(%dma_start3A_134 : memref<16x128x128xf32, #tpu.memory_space<vmem>>) target_semaphore(%arg4 : memref<!tpu.dma_semaphore, #tpu.memory_space<semaphore_mem>>)
    %dma_start3A_139 = arith.constant 14 : i32
    %dma_start3A_140 = arith.constant 0 : i32
    %dma_start3A_141 = arith.constant 0 : i32
    %dma_start3A_142 = arith.constant 0 : i32
    %dma_start3A_143 = tpu.memref_slice %arg2[%dma_start3A_139, %dma_start3A_140, %dma_start3A_141, %dma_start3A_142] : memref<16x16x128x128xf32, #tpu.memory_space<vmem>> -> memref<1x16x128x128xf32, #tpu.memory_space<vmem>>
    %dma_start3A_144 = tpu.memref_squeeze %dma_start3A_143 : memref<1x16x128x128xf32, #tpu.memory_space<vmem>> -> memref<16x128x128xf32, #tpu.memory_space<vmem>>
    %dma_start3A_145 = arith.constant 0 : i32
    %dma_start3A_146 = arith.constant 1792 : i32
    %dma_start3A_147 = arith.constant 1792 : i32
    %dma_start3A_148 = tpu.memref_slice %arg0[%dma_start3A_145, %dma_start3A_146, %dma_start3A_147] : memref<16x2048x2048xf32, #tpu.memory_space<any>> -> memref<16x128x128xf32, #tpu.memory_space<any>>
    tpu.enqueue_dma source(%dma_start3A_148 : memref<16x128x128xf32, #tpu.memory_space<any>>) target(%dma_start3A_144 : memref<16x128x128xf32, #tpu.memory_space<vmem>>) target_semaphore(%arg4 : memref<!tpu.dma_semaphore, #tpu.memory_space<semaphore_mem>>)
    %dma_start3A_149 = arith.constant 15 : i32
    %dma_start3A_150 = arith.constant 0 : i32
    %dma_start3A_151 = arith.constant 0 : i32
    %dma_start3A_152 = arith.constant 0 : i32
    %dma_start3A_153 = tpu.memref_slice %arg2[%dma_start3A_149, %dma_start3A_150, %dma_start3A_151, %dma_start3A_152] : memref<16x16x128x128xf32, #tpu.memory_space<vmem>> -> memref<1x16x128x128xf32, #tpu.memory_space<vmem>>
    %dma_start3A_154 = tpu.memref_squeeze %dma_start3A_153 : memref<1x16x128x128xf32, #tpu.memory_space<vmem>> -> memref<16x128x128xf32, #tpu.memory_space<vmem>>
    %dma_start3A_155 = arith.constant 0 : i32
    %dma_start3A_156 = arith.constant 1920 : i32
    %dma_start3A_157 = arith.constant 1920 : i32
    %dma_start3A_158 = tpu.memref_slice %arg0[%dma_start3A_155, %dma_start3A_156, %dma_start3A_157] : memref<16x2048x2048xf32, #tpu.memory_space<any>> -> memref<16x128x128xf32, #tpu.memory_space<any>>
    tpu.enqueue_dma source(%dma_start3A_158 : memref<16x128x128xf32, #tpu.memory_space<any>>) target(%dma_start3A_154 : memref<16x128x128xf32, #tpu.memory_space<vmem>>) target_semaphore(%arg4 : memref<!tpu.dma_semaphore, #tpu.memory_space<semaphore_mem>>)
    %iota3A = tpu.iota {dimensions = array<i32: 0>} : vector<128x128xi32>
    %iota3A_159 = tpu.iota {dimensions = array<i32: 1>} : vector<128x128xi32>
    %eq3A = arith.cmpi eq, %iota3A, %iota3A_159 : vector<128x128xi32>
    %broadcast_in_dim3A = vector.shape_cast %eq3A : vector<128x128xi1> to vector<1x128x128xi1>
    %dma_wait3A = arith.constant 0 : i32
    %dma_wait3A_160 = arith.constant 0 : i32
    %dma_wait3A_161 = arith.constant 0 : i32
    %dma_wait3A_162 = arith.constant 0 : i32
    %dma_wait3A_163 = tpu.memref_slice %arg2[%dma_wait3A, %dma_wait3A_160, %dma_wait3A_161, %dma_wait3A_162] : memref<16x16x128x128xf32, #tpu.memory_space<vmem>> -> memref<1x16x128x128xf32, #tpu.memory_space<vmem>>
    %dma_wait3A_164 = tpu.memref_squeeze %dma_wait3A_163 : memref<1x16x128x128xf32, #tpu.memory_space<vmem>> -> memref<16x128x128xf32, #tpu.memory_space<vmem>>
    %dma_wait3A_165 = arith.constant 0 : i32
    %dma_wait3A_166 = arith.constant 0 : i32
    %dma_wait3A_167 = arith.constant 0 : i32
    %dma_wait3A_168 = tpu.memref_slice %arg0[%dma_wait3A_165, %dma_wait3A_166, %dma_wait3A_167] : memref<16x2048x2048xf32, #tpu.memory_space<any>> -> memref<16x128x128xf32, #tpu.memory_space<any>>
    tpu.wait_dma2 semaphore(%arg4 : memref<!tpu.dma_semaphore, #tpu.memory_space<semaphore_mem>>) src(%dma_wait3A_168 : memref<16x128x128xf32, #tpu.memory_space<any>>) dst(%dma_wait3A_164 : memref<16x128x128xf32, #tpu.memory_space<vmem>>)
    %get3A = arith.constant 0 : index
    %get3A_169 = arith.constant 0 : index
    %get3A_170 = arith.constant 0 : index
    %get3A_171 = arith.constant 0 : index
    %get3A_172 = vector.load %arg2[%get3A, %get3A_169, %get3A_170, %get3A_171] : memref<16x16x128x128xf32, #tpu.memory_space<vmem>>, vector<1x16x128x128xf32>
    %get3A_173 = vector.shape_cast %get3A_172 : vector<1x16x128x128xf32> to vector<16x128x128xf32>
    %jit3A = arith.constant 0.000000e+00 : f32
    %broadcast_in_dim3A_174 = vector.shape_cast %broadcast_in_dim3A : vector<1x128x128xi1> to vector<1x128x128xi1>
    %broadcast_in_dim3A_175 = vector.broadcast %broadcast_in_dim3A_174 : vector<1x128x128xi1> to vector<16x128x128xi1>
    %broadcast_in_dim3A_176 = vector.broadcast %jit3A : f32 to vector<16x128x128xf32>
    %select_n3A = arith.select %broadcast_in_dim3A_175, %get3A_173, %broadcast_in_dim3A_176 : vector<16x128x128xi1>, vector<16x128x128xf32>
    %reduce_sum3A = arith.constant dense<0.000000e+00> : vector<16x128xf32>
    %reduce_sum3A_177 = vector.multi_reduction <add>, %select_n3A, %reduce_sum3A [1] : vector<16x128x128xf32> to vector<16x128xf32>
    %swap3A = arith.constant 0 : index
    %swap3A_178 = arith.constant 0 : index
    %swap3A_179 = vector.load %arg3[%swap3A, %swap3A_178] : memref<16x2048xf32, #tpu.memory_space<vmem>>, vector<16x128xf32>
    tpu.vector_store %arg3[%swap3A, %swap3A_178], %reduce_sum3A_177 {strides = array<i32>} : memref<16x2048xf32, #tpu.memory_space<vmem>>, vector<16x128xf32>,
    %dma_wait3A_180 = arith.constant 1 : i32
    %dma_wait3A_181 = arith.constant 0 : i32
    %dma_wait3A_182 = arith.constant 0 : i32
    %dma_wait3A_183 = arith.constant 0 : i32
    %dma_wait3A_184 = tpu.memref_slice %arg2[%dma_wait3A_180, %dma_wait3A_181, %dma_wait3A_182, %dma_wait3A_183] : memref<16x16x128x128xf32, #tpu.memory_space<vmem>> -> memref<1x16x128x128xf32, #tpu.memory_space<vmem>>
    %dma_wait3A_185 = tpu.memref_squeeze %dma_wait3A_184 : memref<1x16x128x128xf32, #tpu.memory_space<vmem>> -> memref<16x128x128xf32, #tpu.memory_space<vmem>>
    %dma_wait3A_186 = arith.constant 0 : i32
    %dma_wait3A_187 = arith.constant 128 : i32
    %dma_wait3A_188 = arith.constant 128 : i32
    %dma_wait3A_189 = tpu.memref_slice %arg0[%dma_wait3A_186, %dma_wait3A_187, %dma_wait3A_188] : memref<16x2048x2048xf32, #tpu.memory_space<any>> -> memref<16x128x128xf32, #tpu.memory_space<any>>
    tpu.wait_dma2 semaphore(%arg4 : memref<!tpu.dma_semaphore, #tpu.memory_space<semaphore_mem>>) src(%dma_wait3A_189 : memref<16x128x128xf32, #tpu.memory_space<any>>) dst(%dma_wait3A_185 : memref<16x128x128xf32, #tpu.memory_space<vmem>>)
    %get3A_190 = arith.constant 1 : index
    %get3A_191 = arith.constant 0 : index
    %get3A_192 = arith.constant 0 : index
    %get3A_193 = arith.constant 0 : index
    %get3A_194 = vector.load %arg2[%get3A_190, %get3A_191, %get3A_192, %get3A_193] : memref<16x16x128x128xf32, #tpu.memory_space<vmem>>, vector<1x16x128x128xf32>
    %get3A_195 = vector.shape_cast %get3A_194 : vector<1x16x128x128xf32> to vector<16x128x128xf32>
    %jit3A_196 = arith.constant 0.000000e+00 : f32
    %broadcast_in_dim3A_197 = vector.shape_cast %broadcast_in_dim3A : vector<1x128x128xi1> to vector<1x128x128xi1>
    %broadcast_in_dim3A_198 = vector.broadcast %broadcast_in_dim3A_197 : vector<1x128x128xi1> to vector<16x128x128xi1>
    %broadcast_in_dim3A_199 = vector.broadcast %jit3A_196 : f32 to vector<16x128x128xf32>
    %select_n3A_200 = arith.select %broadcast_in_dim3A_198, %get3A_195, %broadcast_in_dim3A_199 : vector<16x128x128xi1>, vector<16x128x128xf32>
    %reduce_sum3A_201 = arith.constant dense<0.000000e+00> : vector<16x128xf32>
    %reduce_sum3A_202 = vector.multi_reduction <add>, %select_n3A_200, %reduce_sum3A_201 [1] : vector<16x128x128xf32> to vector<16x128xf32>
    %swap3A_203 = arith.constant 0 : index
    %swap3A_204 = arith.constant 128 : index
    %swap3A_205 = vector.load %arg3[%swap3A_203, %swap3A_204] : memref<16x2048xf32, #tpu.memory_space<vmem>>, vector<16x128xf32>
    tpu.vector_store %arg3[%swap3A_203, %swap3A_204], %reduce_sum3A_202 {strides = array<i32>} : memref<16x2048xf32, #tpu.memory_space<vmem>>, vector<16x128xf32>,
    %dma_wait3A_206 = arith.constant 2 : i32
    %dma_wait3A_207 = arith.constant 0 : i32
    %dma_wait3A_208 = arith.constant 0 : i32
    %dma_wait3A_209 = arith.constant 0 : i32
    %dma_wait3A_210 = tpu.memref_slice %arg2[%dma_wait3A_206, %dma_wait3A_207, %dma_wait3A_208, %dma_wait3A_209] : memref<16x16x128x128xf32, #tpu.memory_space<vmem>> -> memref<1x16x128x128xf32, #tpu.memory_space<vmem>>
    %dma_wait3A_211 = tpu.memref_squeeze %dma_wait3A_210 : memref<1x16x128x128xf32, #tpu.memory_space<vmem>> -> memref<16x128x128xf32, #tpu.memory_space<vmem>>
    %dma_wait3A_212 = arith.constant 0 : i32
    %dma_wait3A_213 = arith.constant 256 : i32
    %dma_wait3A_214 = arith.constant 256 : i32
    %dma_wait3A_215 = tpu.memref_slice %arg0[%dma_wait3A_212, %dma_wait3A_213, %dma_wait3A_214] : memref<16x2048x2048xf32, #tpu.memory_space<any>> -> memref<16x128x128xf32, #tpu.memory_space<any>>
    tpu.wait_dma2 semaphore(%arg4 : memref<!tpu.dma_semaphore, #tpu.memory_space<semaphore_mem>>) src(%dma_wait3A_215 : memref<16x128x128xf32, #tpu.memory_space<any>>) dst(%dma_wait3A_211 : memref<16x128x128xf32, #tpu.memory_space<vmem>>)
    %get3A_216 = arith.constant 2 : index
    %get3A_217 = arith.constant 0 : index
    %get3A_218 = arith.constant 0 : index
    %get3A_219 = arith.constant 0 : index
    %get3A_220 = vector.load %arg2[%get3A_216, %get3A_217, %get3A_218, %get3A_219] : memref<16x16x128x128xf32, #tpu.memory_space<vmem>>, vector<1x16x128x128xf32>
    %get3A_221 = vector.shape_cast %get3A_220 : vector<1x16x128x128xf32> to vector<16x128x128xf32>
    %jit3A_222 = arith.constant 0.000000e+00 : f32
    %broadcast_in_dim3A_223 = vector.shape_cast %broadcast_in_dim3A : vector<1x128x128xi1> to vector<1x128x128xi1>
    %broadcast_in_dim3A_224 = vector.broadcast %broadcast_in_dim3A_223 : vector<1x128x128xi1> to vector<16x128x128xi1>
    %broadcast_in_dim3A_225 = vector.broadcast %jit3A_222 : f32 to vector<16x128x128xf32>
    %select_n3A_226 = arith.select %broadcast_in_dim3A_224, %get3A_221, %broadcast_in_dim3A_225 : vector<16x128x128xi1>, vector<16x128x128xf32>
    %reduce_sum3A_227 = arith.constant dense<0.000000e+00> : vector<16x128xf32>
    %reduce_sum3A_228 = vector.multi_reduction <add>, %select_n3A_226, %reduce_sum3A_227 [1] : vector<16x128x128xf32> to vector<16x128xf32>
    %swap3A_229 = arith.constant 0 : index
    %swap3A_230 = arith.constant 256 : index
    %swap3A_231 = vector.load %arg3[%swap3A_229, %swap3A_230] : memref<16x2048xf32, #tpu.memory_space<vmem>>, vector<16x128xf32>
    tpu.vector_store %arg3[%swap3A_229, %swap3A_230], %reduce_sum3A_228 {strides = array<i32>} : memref<16x2048xf32, #tpu.memory_space<vmem>>, vector<16x128xf32>,
    %dma_wait3A_232 = arith.constant 3 : i32
    %dma_wait3A_233 = arith.constant 0 : i32
    %dma_wait3A_234 = arith.constant 0 : i32
    %dma_wait3A_235 = arith.constant 0 : i32
    %dma_wait3A_236 = tpu.memref_slice %arg2[%dma_wait3A_232, %dma_wait3A_233, %dma_wait3A_234, %dma_wait3A_235] : memref<16x16x128x128xf32, #tpu.memory_space<vmem>> -> memref<1x16x128x128xf32, #tpu.memory_space<vmem>>
    %dma_wait3A_237 = tpu.memref_squeeze %dma_wait3A_236 : memref<1x16x128x128xf32, #tpu.memory_space<vmem>> -> memref<16x128x128xf32, #tpu.memory_space<vmem>>
    %dma_wait3A_238 = arith.constant 0 : i32
    %dma_wait3A_239 = arith.constant 384 : i32
    %dma_wait3A_240 = arith.constant 384 : i32
    %dma_wait3A_241 = tpu.memref_slice %arg0[%dma_wait3A_238, %dma_wait3A_239, %dma_wait3A_240] : memref<16x2048x2048xf32, #tpu.memory_space<any>> -> memref<16x128x128xf32, #tpu.memory_space<any>>
    tpu.wait_dma2 semaphore(%arg4 : memref<!tpu.dma_semaphore, #tpu.memory_space<semaphore_mem>>) src(%dma_wait3A_241 : memref<16x128x128xf32, #tpu.memory_space<any>>) dst(%dma_wait3A_237 : memref<16x128x128xf32, #tpu.memory_space<vmem>>)
    %get3A_242 = arith.constant 3 : index
    %get3A_243 = arith.constant 0 : index
    %get3A_244 = arith.constant 0 : index
    %get3A_245 = arith.constant 0 : index
    %get3A_246 = vector.load %arg2[%get3A_242, %get3A_243, %get3A_244, %get3A_245] : memref<16x16x128x128xf32, #tpu.memory_space<vmem>>, vector<1x16x128x128xf32>
    %get3A_247 = vector.shape_cast %get3A_246 : vector<1x16x128x128xf32> to vector<16x128x128xf32>
    %jit3A_248 = arith.constant 0.000000e+00 : f32
    %broadcast_in_dim3A_249 = vector.shape_cast %broadcast_in_dim3A : vector<1x128x128xi1> to vector<1x128x128xi1>
    %broadcast_in_dim3A_250 = vector.broadcast %broadcast_in_dim3A_249 : vector<1x128x128xi1> to vector<16x128x128xi1>
    %broadcast_in_dim3A_251 = vector.broadcast %jit3A_248 : f32 to vector<16x128x128xf32>
    %select_n3A_252 = arith.select %broadcast_in_dim3A_250, %get3A_247, %broadcast_in_dim3A_251 : vector<16x128x128xi1>, vector<16x128x128xf32>
    %reduce_sum3A_253 = arith.constant dense<0.000000e+00> : vector<16x128xf32>
    %reduce_sum3A_254 = vector.multi_reduction <add>, %select_n3A_252, %reduce_sum3A_253 [1] : vector<16x128x128xf32> to vector<16x128xf32>
    %swap3A_255 = arith.constant 0 : index
    %swap3A_256 = arith.constant 384 : index
    %swap3A_257 = vector.load %arg3[%swap3A_255, %swap3A_256] : memref<16x2048xf32, #tpu.memory_space<vmem>>, vector<16x128xf32>
    tpu.vector_store %arg3[%swap3A_255, %swap3A_256], %reduce_sum3A_254 {strides = array<i32>} : memref<16x2048xf32, #tpu.memory_space<vmem>>, vector<16x128xf32>,
    %dma_wait3A_258 = arith.constant 4 : i32
    %dma_wait3A_259 = arith.constant 0 : i32
    %dma_wait3A_260 = arith.constant 0 : i32
    %dma_wait3A_261 = arith.constant 0 : i32
    %dma_wait3A_262 = tpu.memref_slice %arg2[%dma_wait3A_258, %dma_wait3A_259, %dma_wait3A_260, %dma_wait3A_261] : memref<16x16x128x128xf32, #tpu.memory_space<vmem>> -> memref<1x16x128x128xf32, #tpu.memory_space<vmem>>
    %dma_wait3A_263 = tpu.memref_squeeze %dma_wait3A_262 : memref<1x16x128x128xf32, #tpu.memory_space<vmem>> -> memref<16x128x128xf32, #tpu.memory_space<vmem>>
    %dma_wait3A_264 = arith.constant 0 : i32
    %dma_wait3A_265 = arith.constant 512 : i32
    %dma_wait3A_266 = arith.constant 512 : i32
    %dma_wait3A_267 = tpu.memref_slice %arg0[%dma_wait3A_264, %dma_wait3A_265, %dma_wait3A_266] : memref<16x2048x2048xf32, #tpu.memory_space<any>> -> memref<16x128x128xf32, #tpu.memory_space<any>>
    tpu.wait_dma2 semaphore(%arg4 : memref<!tpu.dma_semaphore, #tpu.memory_space<semaphore_mem>>) src(%dma_wait3A_267 : memref<16x128x128xf32, #tpu.memory_space<any>>) dst(%dma_wait3A_263 : memref<16x128x128xf32, #tpu.memory_space<vmem>>)
    %get3A_268 = arith.constant 4 : index
    %get3A_269 = arith.constant 0 : index
    %get3A_270 = arith.constant 0 : index
    %get3A_271 = arith.constant 0 : index
    %get3A_272 = vector.load %arg2[%get3A_268, %get3A_269, %get3A_270, %get3A_271] : memref<16x16x128x128xf32, #tpu.memory_space<vmem>>, vector<1x16x128x128xf32>
    %get3A_273 = vector.shape_cast %get3A_272 : vector<1x16x128x128xf32> to vector<16x128x128xf32>
    %jit3A_274 = arith.constant 0.000000e+00 : f32
    %broadcast_in_dim3A_275 = vector.shape_cast %broadcast_in_dim3A : vector<1x128x128xi1> to vector<1x128x128xi1>
    %broadcast_in_dim3A_276 = vector.broadcast %broadcast_in_dim3A_275 : vector<1x128x128xi1> to vector<16x128x128xi1>
    %broadcast_in_dim3A_277 = vector.broadcast %jit3A_274 : f32 to vector<16x128x128xf32>
    %select_n3A_278 = arith.select %broadcast_in_dim3A_276, %get3A_273, %broadcast_in_dim3A_277 : vector<16x128x128xi1>, vector<16x128x128xf32>
    %reduce_sum3A_279 = arith.constant dense<0.000000e+00> : vector<16x128xf32>
    %reduce_sum3A_280 = vector.multi_reduction <add>, %select_n3A_278, %reduce_sum3A_279 [1] : vector<16x128x128xf32> to vector<16x128xf32>
    %swap3A_281 = arith.constant 0 : index
    %swap3A_282 = arith.constant 512 : index
    %swap3A_283 = vector.load %arg3[%swap3A_281, %swap3A_282] : memref<16x2048xf32, #tpu.memory_space<vmem>>, vector<16x128xf32>
    tpu.vector_store %arg3[%swap3A_281, %swap3A_282], %reduce_sum3A_280 {strides = array<i32>} : memref<16x2048xf32, #tpu.memory_space<vmem>>, vector<16x128xf32>,
    %dma_wait3A_284 = arith.constant 5 : i32
    %dma_wait3A_285 = arith.constant 0 : i32
    %dma_wait3A_286 = arith.constant 0 : i32
    %dma_wait3A_287 = arith.constant 0 : i32
    %dma_wait3A_288 = tpu.memref_slice %arg2[%dma_wait3A_284, %dma_wait3A_285, %dma_wait3A_286, %dma_wait3A_287] : memref<16x16x128x128xf32, #tpu.memory_space<vmem>> -> memref<1x16x128x128xf32, #tpu.memory_space<vmem>>
    %dma_wait3A_289 = tpu.memref_squeeze %dma_wait3A_288 : memref<1x16x128x128xf32, #tpu.memory_space<vmem>> -> memref<16x128x128xf32, #tpu.memory_space<vmem>>
    %dma_wait3A_290 = arith.constant 0 : i32
    %dma_wait3A_291 = arith.constant 640 : i32
    %dma_wait3A_292 = arith.constant 640 : i32
    %dma_wait3A_293 = tpu.memref_slice %arg0[%dma_wait3A_290, %dma_wait3A_291, %dma_wait3A_292] : memref<16x2048x2048xf32, #tpu.memory_space<any>> -> memref<16x128x128xf32, #tpu.memory_space<any>>
    tpu.wait_dma2 semaphore(%arg4 : memref<!tpu.dma_semaphore, #tpu.memory_space<semaphore_mem>>) src(%dma_wait3A_293 : memref<16x128x128xf32, #tpu.memory_space<any>>) dst(%dma_wait3A_289 : memref<16x128x128xf32, #tpu.memory_space<vmem>>)
    %get3A_294 = arith.constant 5 : index
    %get3A_295 = arith.constant 0 : index
    %get3A_296 = arith.constant 0 : index
    %get3A_297 = arith.constant 0 : index
    %get3A_298 = vector.load %arg2[%get3A_294, %get3A_295, %get3A_296, %get3A_297] : memref<16x16x128x128xf32, #tpu.memory_space<vmem>>, vector<1x16x128x128xf32>
    %get3A_299 = vector.shape_cast %get3A_298 : vector<1x16x128x128xf32> to vector<16x128x128xf32>
    %jit3A_300 = arith.constant 0.000000e+00 : f32
    %broadcast_in_dim3A_301 = vector.shape_cast %broadcast_in_dim3A : vector<1x128x128xi1> to vector<1x128x128xi1>
    %broadcast_in_dim3A_302 = vector.broadcast %broadcast_in_dim3A_301 : vector<1x128x128xi1> to vector<16x128x128xi1>
    %broadcast_in_dim3A_303 = vector.broadcast %jit3A_300 : f32 to vector<16x128x128xf32>
    %select_n3A_304 = arith.select %broadcast_in_dim3A_302, %get3A_299, %broadcast_in_dim3A_303 : vector<16x128x128xi1>, vector<16x128x128xf32>
    %reduce_sum3A_305 = arith.constant dense<0.000000e+00> : vector<16x128xf32>
    %reduce_sum3A_306 = vector.multi_reduction <add>, %select_n3A_304, %reduce_sum3A_305 [1] : vector<16x128x128xf32> to vector<16x128xf32>
    %swap3A_307 = arith.constant 0 : index
    %swap3A_308 = arith.constant 640 : index
    %swap3A_309 = vector.load %arg3[%swap3A_307, %swap3A_308] : memref<16x2048xf32, #tpu.memory_space<vmem>>, vector<16x128xf32>
    tpu.vector_store %arg3[%swap3A_307, %swap3A_308], %reduce_sum3A_306 {strides = array<i32>} : memref<16x2048xf32, #tpu.memory_space<vmem>>, vector<16x128xf32>,
    %dma_wait3A_310 = arith.constant 6 : i32
    %dma_wait3A_311 = arith.constant 0 : i32
    %dma_wait3A_312 = arith.constant 0 : i32
    %dma_wait3A_313 = arith.constant 0 : i32
    %dma_wait3A_314 = tpu.memref_slice %arg2[%dma_wait3A_310, %dma_wait3A_311, %dma_wait3A_312, %dma_wait3A_313] : memref<16x16x128x128xf32, #tpu.memory_space<vmem>> -> memref<1x16x128x128xf32, #tpu.memory_space<vmem>>
    %dma_wait3A_315 = tpu.memref_squeeze %dma_wait3A_314 : memref<1x16x128x128xf32, #tpu.memory_space<vmem>> -> memref<16x128x128xf32, #tpu.memory_space<vmem>>
    %dma_wait3A_316 = arith.constant 0 : i32
    %dma_wait3A_317 = arith.constant 768 : i32
    %dma_wait3A_318 = arith.constant 768 : i32
    %dma_wait3A_319 = tpu.memref_slice %arg0[%dma_wait3A_316, %dma_wait3A_317, %dma_wait3A_318] : memref<16x2048x2048xf32, #tpu.memory_space<any>> -> memref<16x128x128xf32, #tpu.memory_space<any>>
    tpu.wait_dma2 semaphore(%arg4 : memref<!tpu.dma_semaphore, #tpu.memory_space<semaphore_mem>>) src(%dma_wait3A_319 : memref<16x128x128xf32, #tpu.memory_space<any>>) dst(%dma_wait3A_315 : memref<16x128x128xf32, #tpu.memory_space<vmem>>)
    %get3A_320 = arith.constant 6 : index
    %get3A_321 = arith.constant 0 : index
    %get3A_322 = arith.constant 0 : index
    %get3A_323 = arith.constant 0 : index
    %get3A_324 = vector.load %arg2[%get3A_320, %get3A_321, %get3A_322, %get3A_323] : memref<16x16x128x128xf32, #tpu.memory_space<vmem>>, vector<1x16x128x128xf32>
    %get3A_325 = vector.shape_cast %get3A_324 : vector<1x16x128x128xf32> to vector<16x128x128xf32>
    %jit3A_326 = arith.constant 0.000000e+00 : f32
    %broadcast_in_dim3A_327 = vector.shape_cast %broadcast_in_dim3A : vector<1x128x128xi1> to vector<1x128x128xi1>
    %broadcast_in_dim3A_328 = vector.broadcast %broadcast_in_dim3A_327 : vector<1x128x128xi1> to vector<16x128x128xi1>
    %broadcast_in_dim3A_329 = vector.broadcast %jit3A_326 : f32 to vector<16x128x128xf32>
    %select_n3A_330 = arith.select %broadcast_in_dim3A_328, %get3A_325, %broadcast_in_dim3A_329 : vector<16x128x128xi1>, vector<16x128x128xf32>
    %reduce_sum3A_331 = arith.constant dense<0.000000e+00> : vector<16x128xf32>
    %reduce_sum3A_332 = vector.multi_reduction <add>, %select_n3A_330, %reduce_sum3A_331 [1] : vector<16x128x128xf32> to vector<16x128xf32>
    %swap3A_333 = arith.constant 0 : index
    %swap3A_334 = arith.constant 768 : index
    %swap3A_335 = vector.load %arg3[%swap3A_333, %swap3A_334] : memref<16x2048xf32, #tpu.memory_space<vmem>>, vector<16x128xf32>
    tpu.vector_store %arg3[%swap3A_333, %swap3A_334], %reduce_sum3A_332 {strides = array<i32>} : memref<16x2048xf32, #tpu.memory_space<vmem>>, vector<16x128xf32>,
    %dma_wait3A_336 = arith.constant 7 : i32
    %dma_wait3A_337 = arith.constant 0 : i32
    %dma_wait3A_338 = arith.constant 0 : i32
    %dma_wait3A_339 = arith.constant 0 : i32
    %dma_wait3A_340 = tpu.memref_slice %arg2[%dma_wait3A_336, %dma_wait3A_337, %dma_wait3A_338, %dma_wait3A_339] : memref<16x16x128x128xf32, #tpu.memory_space<vmem>> -> memref<1x16x128x128xf32, #tpu.memory_space<vmem>>
    %dma_wait3A_341 = tpu.memref_squeeze %dma_wait3A_340 : memref<1x16x128x128xf32, #tpu.memory_space<vmem>> -> memref<16x128x128xf32, #tpu.memory_space<vmem>>
    %dma_wait3A_342 = arith.constant 0 : i32
    %dma_wait3A_343 = arith.constant 896 : i32
    %dma_wait3A_344 = arith.constant 896 : i32
    %dma_wait3A_345 = tpu.memref_slice %arg0[%dma_wait3A_342, %dma_wait3A_343, %dma_wait3A_344] : memref<16x2048x2048xf32, #tpu.memory_space<any>> -> memref<16x128x128xf32, #tpu.memory_space<any>>
    tpu.wait_dma2 semaphore(%arg4 : memref<!tpu.dma_semaphore, #tpu.memory_space<semaphore_mem>>) src(%dma_wait3A_345 : memref<16x128x128xf32, #tpu.memory_space<any>>) dst(%dma_wait3A_341 : memref<16x128x128xf32, #tpu.memory_space<vmem>>)
    %get3A_346 = arith.constant 7 : index
    %get3A_347 = arith.constant 0 : index
    %get3A_348 = arith.constant 0 : index
    %get3A_349 = arith.constant 0 : index
    %get3A_350 = vector.load %arg2[%get3A_346, %get3A_347, %get3A_348, %get3A_349] : memref<16x16x128x128xf32, #tpu.memory_space<vmem>>, vector<1x16x128x128xf32>
    %get3A_351 = vector.shape_cast %get3A_350 : vector<1x16x128x128xf32> to vector<16x128x128xf32>
    %jit3A_352 = arith.constant 0.000000e+00 : f32
    %broadcast_in_dim3A_353 = vector.shape_cast %broadcast_in_dim3A : vector<1x128x128xi1> to vector<1x128x128xi1>
    %broadcast_in_dim3A_354 = vector.broadcast %broadcast_in_dim3A_353 : vector<1x128x128xi1> to vector<16x128x128xi1>
    %broadcast_in_dim3A_355 = vector.broadcast %jit3A_352 : f32 to vector<16x128x128xf32>
    %select_n3A_356 = arith.select %broadcast_in_dim3A_354, %get3A_351, %broadcast_in_dim3A_355 : vector<16x128x128xi1>, vector<16x128x128xf32>
    %reduce_sum3A_357 = arith.constant dense<0.000000e+00> : vector<16x128xf32>
    %reduce_sum3A_358 = vector.multi_reduction <add>, %select_n3A_356, %reduce_sum3A_357 [1] : vector<16x128x128xf32> to vector<16x128xf32>
    %swap3A_359 = arith.constant 0 : index
    %swap3A_360 = arith.constant 896 : index
    %swap3A_361 = vector.load %arg3[%swap3A_359, %swap3A_360] : memref<16x2048xf32, #tpu.memory_space<vmem>>, vector<16x128xf32>
    tpu.vector_store %arg3[%swap3A_359, %swap3A_360], %reduce_sum3A_358 {strides = array<i32>} : memref<16x2048xf32, #tpu.memory_space<vmem>>, vector<16x128xf32>,
    %dma_wait3A_362 = arith.constant 8 : i32
    %dma_wait3A_363 = arith.constant 0 : i32
    %dma_wait3A_364 = arith.constant 0 : i32
    %dma_wait3A_365 = arith.constant 0 : i32
    %dma_wait3A_366 = tpu.memref_slice %arg2[%dma_wait3A_362, %dma_wait3A_363, %dma_wait3A_364, %dma_wait3A_365] : memref<16x16x128x128xf32, #tpu.memory_space<vmem>> -> memref<1x16x128x128xf32, #tpu.memory_space<vmem>>
    %dma_wait3A_367 = tpu.memref_squeeze %dma_wait3A_366 : memref<1x16x128x128xf32, #tpu.memory_space<vmem>> -> memref<16x128x128xf32, #tpu.memory_space<vmem>>
    %dma_wait3A_368 = arith.constant 0 : i32
    %dma_wait3A_369 = arith.constant 1024 : i32
    %dma_wait3A_370 = arith.constant 1024 : i32
    %dma_wait3A_371 = tpu.memref_slice %arg0[%dma_wait3A_368, %dma_wait3A_369, %dma_wait3A_370] : memref<16x2048x2048xf32, #tpu.memory_space<any>> -> memref<16x128x128xf32, #tpu.memory_space<any>>
    tpu.wait_dma2 semaphore(%arg4 : memref<!tpu.dma_semaphore, #tpu.memory_space<semaphore_mem>>) src(%dma_wait3A_371 : memref<16x128x128xf32, #tpu.memory_space<any>>) dst(%dma_wait3A_367 : memref<16x128x128xf32, #tpu.memory_space<vmem>>)
    %get3A_372 = arith.constant 8 : index
    %get3A_373 = arith.constant 0 : index
    %get3A_374 = arith.constant 0 : index
    %get3A_375 = arith.constant 0 : index
    %get3A_376 = vector.load %arg2[%get3A_372, %get3A_373, %get3A_374, %get3A_375] : memref<16x16x128x128xf32, #tpu.memory_space<vmem>>, vector<1x16x128x128xf32>
    %get3A_377 = vector.shape_cast %get3A_376 : vector<1x16x128x128xf32> to vector<16x128x128xf32>
    %jit3A_378 = arith.constant 0.000000e+00 : f32
    %broadcast_in_dim3A_379 = vector.shape_cast %broadcast_in_dim3A : vector<1x128x128xi1> to vector<1x128x128xi1>
    %broadcast_in_dim3A_380 = vector.broadcast %broadcast_in_dim3A_379 : vector<1x128x128xi1> to vector<16x128x128xi1>
    %broadcast_in_dim3A_381 = vector.broadcast %jit3A_378 : f32 to vector<16x128x128xf32>
    %select_n3A_382 = arith.select %broadcast_in_dim3A_380, %get3A_377, %broadcast_in_dim3A_381 : vector<16x128x128xi1>, vector<16x128x128xf32>
    %reduce_sum3A_383 = arith.constant dense<0.000000e+00> : vector<16x128xf32>
    %reduce_sum3A_384 = vector.multi_reduction <add>, %select_n3A_382, %reduce_sum3A_383 [1] : vector<16x128x128xf32> to vector<16x128xf32>
    %swap3A_385 = arith.constant 0 : index
    %swap3A_386 = arith.constant 1024 : index
    %swap3A_387 = vector.load %arg3[%swap3A_385, %swap3A_386] : memref<16x2048xf32, #tpu.memory_space<vmem>>, vector<16x128xf32>
    tpu.vector_store %arg3[%swap3A_385, %swap3A_386], %reduce_sum3A_384 {strides = array<i32>} : memref<16x2048xf32, #tpu.memory_space<vmem>>, vector<16x128xf32>,
    %dma_wait3A_388 = arith.constant 9 : i32
    %dma_wait3A_389 = arith.constant 0 : i32
    %dma_wait3A_390 = arith.constant 0 : i32
    %dma_wait3A_391 = arith.constant 0 : i32
    %dma_wait3A_392 = tpu.memref_slice %arg2[%dma_wait3A_388, %dma_wait3A_389, %dma_wait3A_390, %dma_wait3A_391] : memref<16x16x128x128xf32, #tpu.memory_space<vmem>> -> memref<1x16x128x128xf32, #tpu.memory_space<vmem>>
    %dma_wait3A_393 = tpu.memref_squeeze %dma_wait3A_392 : memref<1x16x128x128xf32, #tpu.memory_space<vmem>> -> memref<16x128x128xf32, #tpu.memory_space<vmem>>
    %dma_wait3A_394 = arith.constant 0 : i32
    %dma_wait3A_395 = arith.constant 1152 : i32
    %dma_wait3A_396 = arith.constant 1152 : i32
    %dma_wait3A_397 = tpu.memref_slice %arg0[%dma_wait3A_394, %dma_wait3A_395, %dma_wait3A_396] : memref<16x2048x2048xf32, #tpu.memory_space<any>> -> memref<16x128x128xf32, #tpu.memory_space<any>>
    tpu.wait_dma2 semaphore(%arg4 : memref<!tpu.dma_semaphore, #tpu.memory_space<semaphore_mem>>) src(%dma_wait3A_397 : memref<16x128x128xf32, #tpu.memory_space<any>>) dst(%dma_wait3A_393 : memref<16x128x128xf32, #tpu.memory_space<vmem>>)
    %get3A_398 = arith.constant 9 : index
    %get3A_399 = arith.constant 0 : index
    %get3A_400 = arith.constant 0 : index
    %get3A_401 = arith.constant 0 : index
    %get3A_402 = vector.load %arg2[%get3A_398, %get3A_399, %get3A_400, %get3A_401] : memref<16x16x128x128xf32, #tpu.memory_space<vmem>>, vector<1x16x128x128xf32>
    %get3A_403 = vector.shape_cast %get3A_402 : vector<1x16x128x128xf32> to vector<16x128x128xf32>
    %jit3A_404 = arith.constant 0.000000e+00 : f32
    %broadcast_in_dim3A_405 = vector.shape_cast %broadcast_in_dim3A : vector<1x128x128xi1> to vector<1x128x128xi1>
    %broadcast_in_dim3A_406 = vector.broadcast %broadcast_in_dim3A_405 : vector<1x128x128xi1> to vector<16x128x128xi1>
    %broadcast_in_dim3A_407 = vector.broadcast %jit3A_404 : f32 to vector<16x128x128xf32>
    %select_n3A_408 = arith.select %broadcast_in_dim3A_406, %get3A_403, %broadcast_in_dim3A_407 : vector<16x128x128xi1>, vector<16x128x128xf32>
    %reduce_sum3A_409 = arith.constant dense<0.000000e+00> : vector<16x128xf32>
    %reduce_sum3A_410 = vector.multi_reduction <add>, %select_n3A_408, %reduce_sum3A_409 [1] : vector<16x128x128xf32> to vector<16x128xf32>
    %swap3A_411 = arith.constant 0 : index
    %swap3A_412 = arith.constant 1152 : index
    %swap3A_413 = vector.load %arg3[%swap3A_411, %swap3A_412] : memref<16x2048xf32, #tpu.memory_space<vmem>>, vector<16x128xf32>
    tpu.vector_store %arg3[%swap3A_411, %swap3A_412], %reduce_sum3A_410 {strides = array<i32>} : memref<16x2048xf32, #tpu.memory_space<vmem>>, vector<16x128xf32>,
    %dma_wait3A_414 = arith.constant 10 : i32
    %dma_wait3A_415 = arith.constant 0 : i32
    %dma_wait3A_416 = arith.constant 0 : i32
    %dma_wait3A_417 = arith.constant 0 : i32
    %dma_wait3A_418 = tpu.memref_slice %arg2[%dma_wait3A_414, %dma_wait3A_415, %dma_wait3A_416, %dma_wait3A_417] : memref<16x16x128x128xf32, #tpu.memory_space<vmem>> -> memref<1x16x128x128xf32, #tpu.memory_space<vmem>>
    %dma_wait3A_419 = tpu.memref_squeeze %dma_wait3A_418 : memref<1x16x128x128xf32, #tpu.memory_space<vmem>> -> memref<16x128x128xf32, #tpu.memory_space<vmem>>
    %dma_wait3A_420 = arith.constant 0 : i32
    %dma_wait3A_421 = arith.constant 1280 : i32
    %dma_wait3A_422 = arith.constant 1280 : i32
    %dma_wait3A_423 = tpu.memref_slice %arg0[%dma_wait3A_420, %dma_wait3A_421, %dma_wait3A_422] : memref<16x2048x2048xf32, #tpu.memory_space<any>> -> memref<16x128x128xf32, #tpu.memory_space<any>>
    tpu.wait_dma2 semaphore(%arg4 : memref<!tpu.dma_semaphore, #tpu.memory_space<semaphore_mem>>) src(%dma_wait3A_423 : memref<16x128x128xf32, #tpu.memory_space<any>>) dst(%dma_wait3A_419 : memref<16x128x128xf32, #tpu.memory_space<vmem>>)
    %get3A_424 = arith.constant 10 : index
    %get3A_425 = arith.constant 0 : index
    %get3A_426 = arith.constant 0 : index
    %get3A_427 = arith.constant 0 : index
    %get3A_428 = vector.load %arg2[%get3A_424, %get3A_425, %get3A_426, %get3A_427] : memref<16x16x128x128xf32, #tpu.memory_space<vmem>>, vector<1x16x128x128xf32>
    %get3A_429 = vector.shape_cast %get3A_428 : vector<1x16x128x128xf32> to vector<16x128x128xf32>
    %jit3A_430 = arith.constant 0.000000e+00 : f32
    %broadcast_in_dim3A_431 = vector.shape_cast %broadcast_in_dim3A : vector<1x128x128xi1> to vector<1x128x128xi1>
    %broadcast_in_dim3A_432 = vector.broadcast %broadcast_in_dim3A_431 : vector<1x128x128xi1> to vector<16x128x128xi1>
    %broadcast_in_dim3A_433 = vector.broadcast %jit3A_430 : f32 to vector<16x128x128xf32>
    %select_n3A_434 = arith.select %broadcast_in_dim3A_432, %get3A_429, %broadcast_in_dim3A_433 : vector<16x128x128xi1>, vector<16x128x128xf32>
    %reduce_sum3A_435 = arith.constant dense<0.000000e+00> : vector<16x128xf32>
    %reduce_sum3A_436 = vector.multi_reduction <add>, %select_n3A_434, %reduce_sum3A_435 [1] : vector<16x128x128xf32> to vector<16x128xf32>
    %swap3A_437 = arith.constant 0 : index
    %swap3A_438 = arith.constant 1280 : index
    %swap3A_439 = vector.load %arg3[%swap3A_437, %swap3A_438] : memref<16x2048xf32, #tpu.memory_space<vmem>>, vector<16x128xf32>
    tpu.vector_store %arg3[%swap3A_437, %swap3A_438], %reduce_sum3A_436 {strides = array<i32>} : memref<16x2048xf32, #tpu.memory_space<vmem>>, vector<16x128xf32>,
    %dma_wait3A_440 = arith.constant 11 : i32
    %dma_wait3A_441 = arith.constant 0 : i32
    %dma_wait3A_442 = arith.constant 0 : i32
    %dma_wait3A_443 = arith.constant 0 : i32
    %dma_wait3A_444 = tpu.memref_slice %arg2[%dma_wait3A_440, %dma_wait3A_441, %dma_wait3A_442, %dma_wait3A_443] : memref<16x16x128x128xf32, #tpu.memory_space<vmem>> -> memref<1x16x128x128xf32, #tpu.memory_space<vmem>>
    %dma_wait3A_445 = tpu.memref_squeeze %dma_wait3A_444 : memref<1x16x128x128xf32, #tpu.memory_space<vmem>> -> memref<16x128x128xf32, #tpu.memory_space<vmem>>
    %dma_wait3A_446 = arith.constant 0 : i32
    %dma_wait3A_447 = arith.constant 1408 : i32
    %dma_wait3A_448 = arith.constant 1408 : i32
    %dma_wait3A_449 = tpu.memref_slice %arg0[%dma_wait3A_446, %dma_wait3A_447, %dma_wait3A_448] : memref<16x2048x2048xf32, #tpu.memory_space<any>> -> memref<16x128x128xf32, #tpu.memory_space<any>>
    tpu.wait_dma2 semaphore(%arg4 : memref<!tpu.dma_semaphore, #tpu.memory_space<semaphore_mem>>) src(%dma_wait3A_449 : memref<16x128x128xf32, #tpu.memory_space<any>>) dst(%dma_wait3A_445 : memref<16x128x128xf32, #tpu.memory_space<vmem>>)
    %get3A_450 = arith.constant 11 : index
    %get3A_451 = arith.constant 0 : index
    %get3A_452 = arith.constant 0 : index
    %get3A_453 = arith.constant 0 : index
    %get3A_454 = vector.load %arg2[%get3A_450, %get3A_451, %get3A_452, %get3A_453] : memref<16x16x128x128xf32, #tpu.memory_space<vmem>>, vector<1x16x128x128xf32>
    %get3A_455 = vector.shape_cast %get3A_454 : vector<1x16x128x128xf32> to vector<16x128x128xf32>
    %jit3A_456 = arith.constant 0.000000e+00 : f32
    %broadcast_in_dim3A_457 = vector.shape_cast %broadcast_in_dim3A : vector<1x128x128xi1> to vector<1x128x128xi1>
    %broadcast_in_dim3A_458 = vector.broadcast %broadcast_in_dim3A_457 : vector<1x128x128xi1> to vector<16x128x128xi1>
    %broadcast_in_dim3A_459 = vector.broadcast %jit3A_456 : f32 to vector<16x128x128xf32>
    %select_n3A_460 = arith.select %broadcast_in_dim3A_458, %get3A_455, %broadcast_in_dim3A_459 : vector<16x128x128xi1>, vector<16x128x128xf32>
    %reduce_sum3A_461 = arith.constant dense<0.000000e+00> : vector<16x128xf32>
    %reduce_sum3A_462 = vector.multi_reduction <add>, %select_n3A_460, %reduce_sum3A_461 [1] : vector<16x128x128xf32> to vector<16x128xf32>
    %swap3A_463 = arith.constant 0 : index
    %swap3A_464 = arith.constant 1408 : index
    %swap3A_465 = vector.load %arg3[%swap3A_463, %swap3A_464] : memref<16x2048xf32, #tpu.memory_space<vmem>>, vector<16x128xf32>
    tpu.vector_store %arg3[%swap3A_463, %swap3A_464], %reduce_sum3A_462 {strides = array<i32>} : memref<16x2048xf32, #tpu.memory_space<vmem>>, vector<16x128xf32>,
    %dma_wait3A_466 = arith.constant 12 : i32
    %dma_wait3A_467 = arith.constant 0 : i32
    %dma_wait3A_468 = arith.constant 0 : i32
    %dma_wait3A_469 = arith.constant 0 : i32
    %dma_wait3A_470 = tpu.memref_slice %arg2[%dma_wait3A_466, %dma_wait3A_467, %dma_wait3A_468, %dma_wait3A_469] : memref<16x16x128x128xf32, #tpu.memory_space<vmem>> -> memref<1x16x128x128xf32, #tpu.memory_space<vmem>>
    %dma_wait3A_471 = tpu.memref_squeeze %dma_wait3A_470 : memref<1x16x128x128xf32, #tpu.memory_space<vmem>> -> memref<16x128x128xf32, #tpu.memory_space<vmem>>
    %dma_wait3A_472 = arith.constant 0 : i32
    %dma_wait3A_473 = arith.constant 1536 : i32
    %dma_wait3A_474 = arith.constant 1536 : i32
    %dma_wait3A_475 = tpu.memref_slice %arg0[%dma_wait3A_472, %dma_wait3A_473, %dma_wait3A_474] : memref<16x2048x2048xf32, #tpu.memory_space<any>> -> memref<16x128x128xf32, #tpu.memory_space<any>>
    tpu.wait_dma2 semaphore(%arg4 : memref<!tpu.dma_semaphore, #tpu.memory_space<semaphore_mem>>) src(%dma_wait3A_475 : memref<16x128x128xf32, #tpu.memory_space<any>>) dst(%dma_wait3A_471 : memref<16x128x128xf32, #tpu.memory_space<vmem>>)
    %get3A_476 = arith.constant 12 : index
    %get3A_477 = arith.constant 0 : index
    %get3A_478 = arith.constant 0 : index
    %get3A_479 = arith.constant 0 : index
    %get3A_480 = vector.load %arg2[%get3A_476, %get3A_477, %get3A_478, %get3A_479] : memref<16x16x128x128xf32, #tpu.memory_space<vmem>>, vector<1x16x128x128xf32>
    %get3A_481 = vector.shape_cast %get3A_480 : vector<1x16x128x128xf32> to vector<16x128x128xf32>
    %jit3A_482 = arith.constant 0.000000e+00 : f32
    %broadcast_in_dim3A_483 = vector.shape_cast %broadcast_in_dim3A : vector<1x128x128xi1> to vector<1x128x128xi1>
    %broadcast_in_dim3A_484 = vector.broadcast %broadcast_in_dim3A_483 : vector<1x128x128xi1> to vector<16x128x128xi1>
    %broadcast_in_dim3A_485 = vector.broadcast %jit3A_482 : f32 to vector<16x128x128xf32>
    %select_n3A_486 = arith.select %broadcast_in_dim3A_484, %get3A_481, %broadcast_in_dim3A_485 : vector<16x128x128xi1>, vector<16x128x128xf32>
    %reduce_sum3A_487 = arith.constant dense<0.000000e+00> : vector<16x128xf32>
    %reduce_sum3A_488 = vector.multi_reduction <add>, %select_n3A_486, %reduce_sum3A_487 [1] : vector<16x128x128xf32> to vector<16x128xf32>
    %swap3A_489 = arith.constant 0 : index
    %swap3A_490 = arith.constant 1536 : index
    %swap3A_491 = vector.load %arg3[%swap3A_489, %swap3A_490] : memref<16x2048xf32, #tpu.memory_space<vmem>>, vector<16x128xf32>
    tpu.vector_store %arg3[%swap3A_489, %swap3A_490], %reduce_sum3A_488 {strides = array<i32>} : memref<16x2048xf32, #tpu.memory_space<vmem>>, vector<16x128xf32>,
    %dma_wait3A_492 = arith.constant 13 : i32
    %dma_wait3A_493 = arith.constant 0 : i32
    %dma_wait3A_494 = arith.constant 0 : i32
    %dma_wait3A_495 = arith.constant 0 : i32
    %dma_wait3A_496 = tpu.memref_slice %arg2[%dma_wait3A_492, %dma_wait3A_493, %dma_wait3A_494, %dma_wait3A_495] : memref<16x16x128x128xf32, #tpu.memory_space<vmem>> -> memref<1x16x128x128xf32, #tpu.memory_space<vmem>>
    %dma_wait3A_497 = tpu.memref_squeeze %dma_wait3A_496 : memref<1x16x128x128xf32, #tpu.memory_space<vmem>> -> memref<16x128x128xf32, #tpu.memory_space<vmem>>
    %dma_wait3A_498 = arith.constant 0 : i32
    %dma_wait3A_499 = arith.constant 1664 : i32
    %dma_wait3A_500 = arith.constant 1664 : i32
    %dma_wait3A_501 = tpu.memref_slice %arg0[%dma_wait3A_498, %dma_wait3A_499, %dma_wait3A_500] : memref<16x2048x2048xf32, #tpu.memory_space<any>> -> memref<16x128x128xf32, #tpu.memory_space<any>>
    tpu.wait_dma2 semaphore(%arg4 : memref<!tpu.dma_semaphore, #tpu.memory_space<semaphore_mem>>) src(%dma_wait3A_501 : memref<16x128x128xf32, #tpu.memory_space<any>>) dst(%dma_wait3A_497 : memref<16x128x128xf32, #tpu.memory_space<vmem>>)
    %get3A_502 = arith.constant 13 : index
    %get3A_503 = arith.constant 0 : index
    %get3A_504 = arith.constant 0 : index
    %get3A_505 = arith.constant 0 : index
    %get3A_506 = vector.load %arg2[%get3A_502, %get3A_503, %get3A_504, %get3A_505] : memref<16x16x128x128xf32, #tpu.memory_space<vmem>>, vector<1x16x128x128xf32>
    %get3A_507 = vector.shape_cast %get3A_506 : vector<1x16x128x128xf32> to vector<16x128x128xf32>
    %jit3A_508 = arith.constant 0.000000e+00 : f32
    %broadcast_in_dim3A_509 = vector.shape_cast %broadcast_in_dim3A : vector<1x128x128xi1> to vector<1x128x128xi1>
    %broadcast_in_dim3A_510 = vector.broadcast %broadcast_in_dim3A_509 : vector<1x128x128xi1> to vector<16x128x128xi1>
    %broadcast_in_dim3A_511 = vector.broadcast %jit3A_508 : f32 to vector<16x128x128xf32>
    %select_n3A_512 = arith.select %broadcast_in_dim3A_510, %get3A_507, %broadcast_in_dim3A_511 : vector<16x128x128xi1>, vector<16x128x128xf32>
    %reduce_sum3A_513 = arith.constant dense<0.000000e+00> : vector<16x128xf32>
    %reduce_sum3A_514 = vector.multi_reduction <add>, %select_n3A_512, %reduce_sum3A_513 [1] : vector<16x128x128xf32> to vector<16x128xf32>
    %swap3A_515 = arith.constant 0 : index
    %swap3A_516 = arith.constant 1664 : index
    %swap3A_517 = vector.load %arg3[%swap3A_515, %swap3A_516] : memref<16x2048xf32, #tpu.memory_space<vmem>>, vector<16x128xf32>
    tpu.vector_store %arg3[%swap3A_515, %swap3A_516], %reduce_sum3A_514 {strides = array<i32>} : memref<16x2048xf32, #tpu.memory_space<vmem>>, vector<16x128xf32>,
    %dma_wait3A_518 = arith.constant 14 : i32
    %dma_wait3A_519 = arith.constant 0 : i32
    %dma_wait3A_520 = arith.constant 0 : i32
    %dma_wait3A_521 = arith.constant 0 : i32
    %dma_wait3A_522 = tpu.memref_slice %arg2[%dma_wait3A_518, %dma_wait3A_519, %dma_wait3A_520, %dma_wait3A_521] : memref<16x16x128x128xf32, #tpu.memory_space<vmem>> -> memref<1x16x128x128xf32, #tpu.memory_space<vmem>>
    %dma_wait3A_523 = tpu.memref_squeeze %dma_wait3A_522 : memref<1x16x128x128xf32, #tpu.memory_space<vmem>> -> memref<16x128x128xf32, #tpu.memory_space<vmem>>
    %dma_wait3A_524 = arith.constant 0 : i32
    %dma_wait3A_525 = arith.constant 1792 : i32
    %dma_wait3A_526 = arith.constant 1792 : i32
    %dma_wait3A_527 = tpu.memref_slice %arg0[%dma_wait3A_524, %dma_wait3A_525, %dma_wait3A_526] : memref<16x2048x2048xf32, #tpu.memory_space<any>> -> memref<16x128x128xf32, #tpu.memory_space<any>>
    tpu.wait_dma2 semaphore(%arg4 : memref<!tpu.dma_semaphore, #tpu.memory_space<semaphore_mem>>) src(%dma_wait3A_527 : memref<16x128x128xf32, #tpu.memory_space<any>>) dst(%dma_wait3A_523 : memref<16x128x128xf32, #tpu.memory_space<vmem>>)
    %get3A_528 = arith.constant 14 : index
    %get3A_529 = arith.constant 0 : index
    %get3A_530 = arith.constant 0 : index
    %get3A_531 = arith.constant 0 : index
    %get3A_532 = vector.load %arg2[%get3A_528, %get3A_529, %get3A_530, %get3A_531] : memref<16x16x128x128xf32, #tpu.memory_space<vmem>>, vector<1x16x128x128xf32>
    %get3A_533 = vector.shape_cast %get3A_532 : vector<1x16x128x128xf32> to vector<16x128x128xf32>
    %jit3A_534 = arith.constant 0.000000e+00 : f32
    %broadcast_in_dim3A_535 = vector.shape_cast %broadcast_in_dim3A : vector<1x128x128xi1> to vector<1x128x128xi1>
    %broadcast_in_dim3A_536 = vector.broadcast %broadcast_in_dim3A_535 : vector<1x128x128xi1> to vector<16x128x128xi1>
    %broadcast_in_dim3A_537 = vector.broadcast %jit3A_534 : f32 to vector<16x128x128xf32>
    %select_n3A_538 = arith.select %broadcast_in_dim3A_536, %get3A_533, %broadcast_in_dim3A_537 : vector<16x128x128xi1>, vector<16x128x128xf32>
    %reduce_sum3A_539 = arith.constant dense<0.000000e+00> : vector<16x128xf32>
    %reduce_sum3A_540 = vector.multi_reduction <add>, %select_n3A_538, %reduce_sum3A_539 [1] : vector<16x128x128xf32> to vector<16x128xf32>
    %swap3A_541 = arith.constant 0 : index
    %swap3A_542 = arith.constant 1792 : index
    %swap3A_543 = vector.load %arg3[%swap3A_541, %swap3A_542] : memref<16x2048xf32, #tpu.memory_space<vmem>>, vector<16x128xf32>
    tpu.vector_store %arg3[%swap3A_541, %swap3A_542], %reduce_sum3A_540 {strides = array<i32>} : memref<16x2048xf32, #tpu.memory_space<vmem>>, vector<16x128xf32>,
    %dma_wait3A_544 = arith.constant 15 : i32
    %dma_wait3A_545 = arith.constant 0 : i32
    %dma_wait3A_546 = arith.constant 0 : i32
    %dma_wait3A_547 = arith.constant 0 : i32
    %dma_wait3A_548 = tpu.memref_slice %arg2[%dma_wait3A_544, %dma_wait3A_545, %dma_wait3A_546, %dma_wait3A_547] : memref<16x16x128x128xf32, #tpu.memory_space<vmem>> -> memref<1x16x128x128xf32, #tpu.memory_space<vmem>>
    %dma_wait3A_549 = tpu.memref_squeeze %dma_wait3A_548 : memref<1x16x128x128xf32, #tpu.memory_space<vmem>> -> memref<16x128x128xf32, #tpu.memory_space<vmem>>
    %dma_wait3A_550 = arith.constant 0 : i32
    %dma_wait3A_551 = arith.constant 1920 : i32
    %dma_wait3A_552 = arith.constant 1920 : i32
    %dma_wait3A_553 = tpu.memref_slice %arg0[%dma_wait3A_550, %dma_wait3A_551, %dma_wait3A_552] : memref<16x2048x2048xf32, #tpu.memory_space<any>> -> memref<16x128x128xf32, #tpu.memory_space<any>>
    tpu.wait_dma2 semaphore(%arg4 : memref<!tpu.dma_semaphore, #tpu.memory_space<semaphore_mem>>) src(%dma_wait3A_553 : memref<16x128x128xf32, #tpu.memory_space<any>>) dst(%dma_wait3A_549 : memref<16x128x128xf32, #tpu.memory_space<vmem>>)
    %get3A_554 = arith.constant 15 : index
    %get3A_555 = arith.constant 0 : index
    %get3A_556 = arith.constant 0 : index
    %get3A_557 = arith.constant 0 : index
    %get3A_558 = vector.load %arg2[%get3A_554, %get3A_555, %get3A_556, %get3A_557] : memref<16x16x128x128xf32, #tpu.memory_space<vmem>>, vector<1x16x128x128xf32>
    %get3A_559 = vector.shape_cast %get3A_558 : vector<1x16x128x128xf32> to vector<16x128x128xf32>
    %jit3A_560 = arith.constant 0.000000e+00 : f32
    %broadcast_in_dim3A_561 = vector.shape_cast %broadcast_in_dim3A : vector<1x128x128xi1> to vector<1x128x128xi1>
    %broadcast_in_dim3A_562 = vector.broadcast %broadcast_in_dim3A_561 : vector<1x128x128xi1> to vector<16x128x128xi1>
    %broadcast_in_dim3A_563 = vector.broadcast %jit3A_560 : f32 to vector<16x128x128xf32>
    %select_n3A_564 = arith.select %broadcast_in_dim3A_562, %get3A_559, %broadcast_in_dim3A_563 : vector<16x128x128xi1>, vector<16x128x128xf32>
    %reduce_sum3A_565 = arith.constant dense<0.000000e+00> : vector<16x128xf32>
    %reduce_sum3A_566 = vector.multi_reduction <add>, %select_n3A_564, %reduce_sum3A_565 [1] : vector<16x128x128xf32> to vector<16x128xf32>
    %swap3A_567 = arith.constant 0 : index
    %swap3A_568 = arith.constant 1920 : index
    %swap3A_569 = vector.load %arg3[%swap3A_567, %swap3A_568] : memref<16x2048xf32, #tpu.memory_space<vmem>>, vector<16x128xf32>
    tpu.vector_store %arg3[%swap3A_567, %swap3A_568], %reduce_sum3A_566 {strides = array<i32>} : memref<16x2048xf32, #tpu.memory_space<vmem>>, vector<16x128xf32>,
    %dma_start3A_570 = arith.constant 0 : i32
    %dma_start3A_571 = arith.constant 0 : i32
    %dma_start3A_572 = tpu.memref_slice %arg1[%dma_start3A_571] : memref<32768xf32, #tpu.memory_space<any>> -> memref<2048xf32, #tpu.memory_space<any>>
    %dma_start3A_573 = arith.constant 0 : i32
    %dma_start3A_574 = tpu.memref_slice %arg3[%dma_start3A_570, %dma_start3A_573] : memref<16x2048xf32, #tpu.memory_space<vmem>> -> memref<1x2048xf32, #tpu.memory_space<vmem>>
    %dma_start3A_575 = tpu.memref_squeeze %dma_start3A_574 : memref<1x2048xf32, #tpu.memory_space<vmem>> -> memref<2048xf32, #tpu.memory_space<vmem>>
    tpu.enqueue_dma source(%dma_start3A_575 : memref<2048xf32, #tpu.memory_space<vmem>>) target(%dma_start3A_572 : memref<2048xf32, #tpu.memory_space<any>>) target_semaphore(%arg5 : memref<!tpu.dma_semaphore, #tpu.memory_space<semaphore_mem>>)
    %dma_start3A_576 = arith.constant 1 : i32
    %dma_start3A_577 = arith.constant 2048 : i32
    %dma_start3A_578 = tpu.memref_slice %arg1[%dma_start3A_577] : memref<32768xf32, #tpu.memory_space<any>> -> memref<2048xf32, #tpu.memory_space<any>>
    %dma_start3A_579 = arith.constant 0 : i32
    %dma_start3A_580 = tpu.memref_slice %arg3[%dma_start3A_576, %dma_start3A_579] : memref<16x2048xf32, #tpu.memory_space<vmem>> -> memref<1x2048xf32, #tpu.memory_space<vmem>>
    %dma_start3A_581 = tpu.memref_squeeze %dma_start3A_580 : memref<1x2048xf32, #tpu.memory_space<vmem>> -> memref<2048xf32, #tpu.memory_space<vmem>>
    tpu.enqueue_dma source(%dma_start3A_581 : memref<2048xf32, #tpu.memory_space<vmem>>) target(%dma_start3A_578 : memref<2048xf32, #tpu.memory_space<any>>) target_semaphore(%arg5 : memref<!tpu.dma_semaphore, #tpu.memory_space<semaphore_mem>>)
    %dma_start3A_582 = arith.constant 2 : i32
    %dma_start3A_583 = arith.constant 4096 : i32
    %dma_start3A_584 = tpu.memref_slice %arg1[%dma_start3A_583] : memref<32768xf32, #tpu.memory_space<any>> -> memref<2048xf32, #tpu.memory_space<any>>
    %dma_start3A_585 = arith.constant 0 : i32
    %dma_start3A_586 = tpu.memref_slice %arg3[%dma_start3A_582, %dma_start3A_585] : memref<16x2048xf32, #tpu.memory_space<vmem>> -> memref<1x2048xf32, #tpu.memory_space<vmem>>
    %dma_start3A_587 = tpu.memref_squeeze %dma_start3A_586 : memref<1x2048xf32, #tpu.memory_space<vmem>> -> memref<2048xf32, #tpu.memory_space<vmem>>
    tpu.enqueue_dma source(%dma_start3A_587 : memref<2048xf32, #tpu.memory_space<vmem>>) target(%dma_start3A_584 : memref<2048xf32, #tpu.memory_space<any>>) target_semaphore(%arg5 : memref<!tpu.dma_semaphore, #tpu.memory_space<semaphore_mem>>)
    %dma_start3A_588 = arith.constant 3 : i32
    %dma_start3A_589 = arith.constant 6144 : i32
    %dma_start3A_590 = tpu.memref_slice %arg1[%dma_start3A_589] : memref<32768xf32, #tpu.memory_space<any>> -> memref<2048xf32, #tpu.memory_space<any>>
    %dma_start3A_591 = arith.constant 0 : i32
    %dma_start3A_592 = tpu.memref_slice %arg3[%dma_start3A_588, %dma_start3A_591] : memref<16x2048xf32, #tpu.memory_space<vmem>> -> memref<1x2048xf32, #tpu.memory_space<vmem>>
    %dma_start3A_593 = tpu.memref_squeeze %dma_start3A_592 : memref<1x2048xf32, #tpu.memory_space<vmem>> -> memref<2048xf32, #tpu.memory_space<vmem>>
    tpu.enqueue_dma source(%dma_start3A_593 : memref<2048xf32, #tpu.memory_space<vmem>>) target(%dma_start3A_590 : memref<2048xf32, #tpu.memory_space<any>>) target_semaphore(%arg5 : memref<!tpu.dma_semaphore, #tpu.memory_space<semaphore_mem>>)
    %dma_start3A_594 = arith.constant 4 : i32
    %dma_start3A_595 = arith.constant 8192 : i32
    %dma_start3A_596 = tpu.memref_slice %arg1[%dma_start3A_595] : memref<32768xf32, #tpu.memory_space<any>> -> memref<2048xf32, #tpu.memory_space<any>>
    %dma_start3A_597 = arith.constant 0 : i32
    %dma_start3A_598 = tpu.memref_slice %arg3[%dma_start3A_594, %dma_start3A_597] : memref<16x2048xf32, #tpu.memory_space<vmem>> -> memref<1x2048xf32, #tpu.memory_space<vmem>>
    %dma_start3A_599 = tpu.memref_squeeze %dma_start3A_598 : memref<1x2048xf32, #tpu.memory_space<vmem>> -> memref<2048xf32, #tpu.memory_space<vmem>>
    tpu.enqueue_dma source(%dma_start3A_599 : memref<2048xf32, #tpu.memory_space<vmem>>) target(%dma_start3A_596 : memref<2048xf32, #tpu.memory_space<any>>) target_semaphore(%arg5 : memref<!tpu.dma_semaphore, #tpu.memory_space<semaphore_mem>>)
    %dma_start3A_600 = arith.constant 5 : i32
    %dma_start3A_601 = arith.constant 10240 : i32
    %dma_start3A_602 = tpu.memref_slice %arg1[%dma_start3A_601] : memref<32768xf32, #tpu.memory_space<any>> -> memref<2048xf32, #tpu.memory_space<any>>
    %dma_start3A_603 = arith.constant 0 : i32
    %dma_start3A_604 = tpu.memref_slice %arg3[%dma_start3A_600, %dma_start3A_603] : memref<16x2048xf32, #tpu.memory_space<vmem>> -> memref<1x2048xf32, #tpu.memory_space<vmem>>
    %dma_start3A_605 = tpu.memref_squeeze %dma_start3A_604 : memref<1x2048xf32, #tpu.memory_space<vmem>> -> memref<2048xf32, #tpu.memory_space<vmem>>
    tpu.enqueue_dma source(%dma_start3A_605 : memref<2048xf32, #tpu.memory_space<vmem>>) target(%dma_start3A_602 : memref<2048xf32, #tpu.memory_space<any>>) target_semaphore(%arg5 : memref<!tpu.dma_semaphore, #tpu.memory_space<semaphore_mem>>)
    %dma_start3A_606 = arith.constant 6 : i32
    %dma_start3A_607 = arith.constant 12288 : i32
    %dma_start3A_608 = tpu.memref_slice %arg1[%dma_start3A_607] : memref<32768xf32, #tpu.memory_space<any>> -> memref<2048xf32, #tpu.memory_space<any>>
    %dma_start3A_609 = arith.constant 0 : i32
    %dma_start3A_610 = tpu.memref_slice %arg3[%dma_start3A_606, %dma_start3A_609] : memref<16x2048xf32, #tpu.memory_space<vmem>> -> memref<1x2048xf32, #tpu.memory_space<vmem>>
    %dma_start3A_611 = tpu.memref_squeeze %dma_start3A_610 : memref<1x2048xf32, #tpu.memory_space<vmem>> -> memref<2048xf32, #tpu.memory_space<vmem>>
    tpu.enqueue_dma source(%dma_start3A_611 : memref<2048xf32, #tpu.memory_space<vmem>>) target(%dma_start3A_608 : memref<2048xf32, #tpu.memory_space<any>>) target_semaphore(%arg5 : memref<!tpu.dma_semaphore, #tpu.memory_space<semaphore_mem>>)
    %dma_start3A_612 = arith.constant 7 : i32
    %dma_start3A_613 = arith.constant 14336 : i32
    %dma_start3A_614 = tpu.memref_slice %arg1[%dma_start3A_613] : memref<32768xf32, #tpu.memory_space<any>> -> memref<2048xf32, #tpu.memory_space<any>>
    %dma_start3A_615 = arith.constant 0 : i32
    %dma_start3A_616 = tpu.memref_slice %arg3[%dma_start3A_612, %dma_start3A_615] : memref<16x2048xf32, #tpu.memory_space<vmem>> -> memref<1x2048xf32, #tpu.memory_space<vmem>>
    %dma_start3A_617 = tpu.memref_squeeze %dma_start3A_616 : memref<1x2048xf32, #tpu.memory_space<vmem>> -> memref<2048xf32, #tpu.memory_space<vmem>>
    tpu.enqueue_dma source(%dma_start3A_617 : memref<2048xf32, #tpu.memory_space<vmem>>) target(%dma_start3A_614 : memref<2048xf32, #tpu.memory_space<any>>) target_semaphore(%arg5 : memref<!tpu.dma_semaphore, #tpu.memory_space<semaphore_mem>>)
    %dma_start3A_618 = arith.constant 8 : i32
    %dma_start3A_619 = arith.constant 16384 : i32
    %dma_start3A_620 = tpu.memref_slice %arg1[%dma_start3A_619] : memref<32768xf32, #tpu.memory_space<any>> -> memref<2048xf32, #tpu.memory_space<any>>
    %dma_start3A_621 = arith.constant 0 : i32
    %dma_start3A_622 = tpu.memref_slice %arg3[%dma_start3A_618, %dma_start3A_621] : memref<16x2048xf32, #tpu.memory_space<vmem>> -> memref<1x2048xf32, #tpu.memory_space<vmem>>
    %dma_start3A_623 = tpu.memref_squeeze %dma_start3A_622 : memref<1x2048xf32, #tpu.memory_space<vmem>> -> memref<2048xf32, #tpu.memory_space<vmem>>
    tpu.enqueue_dma source(%dma_start3A_623 : memref<2048xf32, #tpu.memory_space<vmem>>) target(%dma_start3A_620 : memref<2048xf32, #tpu.memory_space<any>>) target_semaphore(%arg5 : memref<!tpu.dma_semaphore, #tpu.memory_space<semaphore_mem>>)
    %dma_start3A_624 = arith.constant 9 : i32
    %dma_start3A_625 = arith.constant 18432 : i32
    %dma_start3A_626 = tpu.memref_slice %arg1[%dma_start3A_625] : memref<32768xf32, #tpu.memory_space<any>> -> memref<2048xf32, #tpu.memory_space<any>>
    %dma_start3A_627 = arith.constant 0 : i32
    %dma_start3A_628 = tpu.memref_slice %arg3[%dma_start3A_624, %dma_start3A_627] : memref<16x2048xf32, #tpu.memory_space<vmem>> -> memref<1x2048xf32, #tpu.memory_space<vmem>>
    %dma_start3A_629 = tpu.memref_squeeze %dma_start3A_628 : memref<1x2048xf32, #tpu.memory_space<vmem>> -> memref<2048xf32, #tpu.memory_space<vmem>>
    tpu.enqueue_dma source(%dma_start3A_629 : memref<2048xf32, #tpu.memory_space<vmem>>) target(%dma_start3A_626 : memref<2048xf32, #tpu.memory_space<any>>) target_semaphore(%arg5 : memref<!tpu.dma_semaphore, #tpu.memory_space<semaphore_mem>>)
    %dma_start3A_630 = arith.constant 10 : i32
    %dma_start3A_631 = arith.constant 20480 : i32
    %dma_start3A_632 = tpu.memref_slice %arg1[%dma_start3A_631] : memref<32768xf32, #tpu.memory_space<any>> -> memref<2048xf32, #tpu.memory_space<any>>
    %dma_start3A_633 = arith.constant 0 : i32
    %dma_start3A_634 = tpu.memref_slice %arg3[%dma_start3A_630, %dma_start3A_633] : memref<16x2048xf32, #tpu.memory_space<vmem>> -> memref<1x2048xf32, #tpu.memory_space<vmem>>
    %dma_start3A_635 = tpu.memref_squeeze %dma_start3A_634 : memref<1x2048xf32, #tpu.memory_space<vmem>> -> memref<2048xf32, #tpu.memory_space<vmem>>
    tpu.enqueue_dma source(%dma_start3A_635 : memref<2048xf32, #tpu.memory_space<vmem>>) target(%dma_start3A_632 : memref<2048xf32, #tpu.memory_space<any>>) target_semaphore(%arg5 : memref<!tpu.dma_semaphore, #tpu.memory_space<semaphore_mem>>)
    %dma_start3A_636 = arith.constant 11 : i32
    %dma_start3A_637 = arith.constant 22528 : i32
    %dma_start3A_638 = tpu.memref_slice %arg1[%dma_start3A_637] : memref<32768xf32, #tpu.memory_space<any>> -> memref<2048xf32, #tpu.memory_space<any>>
    %dma_start3A_639 = arith.constant 0 : i32
    %dma_start3A_640 = tpu.memref_slice %arg3[%dma_start3A_636, %dma_start3A_639] : memref<16x2048xf32, #tpu.memory_space<vmem>> -> memref<1x2048xf32, #tpu.memory_space<vmem>>
    %dma_start3A_641 = tpu.memref_squeeze %dma_start3A_640 : memref<1x2048xf32, #tpu.memory_space<vmem>> -> memref<2048xf32, #tpu.memory_space<vmem>>
    tpu.enqueue_dma source(%dma_start3A_641 : memref<2048xf32, #tpu.memory_space<vmem>>) target(%dma_start3A_638 : memref<2048xf32, #tpu.memory_space<any>>) target_semaphore(%arg5 : memref<!tpu.dma_semaphore, #tpu.memory_space<semaphore_mem>>)
    %dma_start3A_642 = arith.constant 12 : i32
    %dma_start3A_643 = arith.constant 24576 : i32
    %dma_start3A_644 = tpu.memref_slice %arg1[%dma_start3A_643] : memref<32768xf32, #tpu.memory_space<any>> -> memref<2048xf32, #tpu.memory_space<any>>
    %dma_start3A_645 = arith.constant 0 : i32
    %dma_start3A_646 = tpu.memref_slice %arg3[%dma_start3A_642, %dma_start3A_645] : memref<16x2048xf32, #tpu.memory_space<vmem>> -> memref<1x2048xf32, #tpu.memory_space<vmem>>
    %dma_start3A_647 = tpu.memref_squeeze %dma_start3A_646 : memref<1x2048xf32, #tpu.memory_space<vmem>> -> memref<2048xf32, #tpu.memory_space<vmem>>
    tpu.enqueue_dma source(%dma_start3A_647 : memref<2048xf32, #tpu.memory_space<vmem>>) target(%dma_start3A_644 : memref<2048xf32, #tpu.memory_space<any>>) target_semaphore(%arg5 : memref<!tpu.dma_semaphore, #tpu.memory_space<semaphore_mem>>)
    %dma_start3A_648 = arith.constant 13 : i32
    %dma_start3A_649 = arith.constant 26624 : i32
    %dma_start3A_650 = tpu.memref_slice %arg1[%dma_start3A_649] : memref<32768xf32, #tpu.memory_space<any>> -> memref<2048xf32, #tpu.memory_space<any>>
    %dma_start3A_651 = arith.constant 0 : i32
    %dma_start3A_652 = tpu.memref_slice %arg3[%dma_start3A_648, %dma_start3A_651] : memref<16x2048xf32, #tpu.memory_space<vmem>> -> memref<1x2048xf32, #tpu.memory_space<vmem>>
    %dma_start3A_653 = tpu.memref_squeeze %dma_start3A_652 : memref<1x2048xf32, #tpu.memory_space<vmem>> -> memref<2048xf32, #tpu.memory_space<vmem>>
    tpu.enqueue_dma source(%dma_start3A_653 : memref<2048xf32, #tpu.memory_space<vmem>>) target(%dma_start3A_650 : memref<2048xf32, #tpu.memory_space<any>>) target_semaphore(%arg5 : memref<!tpu.dma_semaphore, #tpu.memory_space<semaphore_mem>>)
    %dma_start3A_654 = arith.constant 14 : i32
    %dma_start3A_655 = arith.constant 28672 : i32
    %dma_start3A_656 = tpu.memref_slice %arg1[%dma_start3A_655] : memref<32768xf32, #tpu.memory_space<any>> -> memref<2048xf32, #tpu.memory_space<any>>
    %dma_start3A_657 = arith.constant 0 : i32
    %dma_start3A_658 = tpu.memref_slice %arg3[%dma_start3A_654, %dma_start3A_657] : memref<16x2048xf32, #tpu.memory_space<vmem>> -> memref<1x2048xf32, #tpu.memory_space<vmem>>
    %dma_start3A_659 = tpu.memref_squeeze %dma_start3A_658 : memref<1x2048xf32, #tpu.memory_space<vmem>> -> memref<2048xf32, #tpu.memory_space<vmem>>
    tpu.enqueue_dma source(%dma_start3A_659 : memref<2048xf32, #tpu.memory_space<vmem>>) target(%dma_start3A_656 : memref<2048xf32, #tpu.memory_space<any>>) target_semaphore(%arg5 : memref<!tpu.dma_semaphore, #tpu.memory_space<semaphore_mem>>)
    %dma_start3A_660 = arith.constant 15 : i32
    %dma_start3A_661 = arith.constant 30720 : i32
    %dma_start3A_662 = tpu.memref_slice %arg1[%dma_start3A_661] : memref<32768xf32, #tpu.memory_space<any>> -> memref<2048xf32, #tpu.memory_space<any>>
    %dma_start3A_663 = arith.constant 0 : i32
    %dma_start3A_664 = tpu.memref_slice %arg3[%dma_start3A_660, %dma_start3A_663] : memref<16x2048xf32, #tpu.memory_space<vmem>> -> memref<1x2048xf32, #tpu.memory_space<vmem>>
    %dma_start3A_665 = tpu.memref_squeeze %dma_start3A_664 : memref<1x2048xf32, #tpu.memory_space<vmem>> -> memref<2048xf32, #tpu.memory_space<vmem>>
    tpu.enqueue_dma source(%dma_start3A_665 : memref<2048xf32, #tpu.memory_space<vmem>>) target(%dma_start3A_662 : memref<2048xf32, #tpu.memory_space<any>>) target_semaphore(%arg5 : memref<!tpu.dma_semaphore, #tpu.memory_space<semaphore_mem>>)
    %dma_wait3A_666 = arith.constant 0 : i32
    %dma_wait3A_667 = arith.constant 0 : i32
    %dma_wait3A_668 = tpu.memref_slice %arg1[%dma_wait3A_667] : memref<32768xf32, #tpu.memory_space<any>> -> memref<2048xf32, #tpu.memory_space<any>>
    %dma_wait3A_669 = arith.constant 0 : i32
    %dma_wait3A_670 = tpu.memref_slice %arg3[%dma_wait3A_666, %dma_wait3A_669] : memref<16x2048xf32, #tpu.memory_space<vmem>> -> memref<1x2048xf32, #tpu.memory_space<vmem>>
    %dma_wait3A_671 = tpu.memref_squeeze %dma_wait3A_670 : memref<1x2048xf32, #tpu.memory_space<vmem>> -> memref<2048xf32, #tpu.memory_space<vmem>>
    tpu.wait_dma2 semaphore(%arg5 : memref<!tpu.dma_semaphore, #tpu.memory_space<semaphore_mem>>) src(%dma_wait3A_671 : memref<2048xf32, #tpu.memory_space<vmem>>) dst(%dma_wait3A_668 : memref<2048xf32, #tpu.memory_space<any>>)
    %dma_wait3A_672 = arith.constant 1 : i32
    %dma_wait3A_673 = arith.constant 2048 : i32
    %dma_wait3A_674 = tpu.memref_slice %arg1[%dma_wait3A_673] : memref<32768xf32, #tpu.memory_space<any>> -> memref<2048xf32, #tpu.memory_space<any>>
    %dma_wait3A_675 = arith.constant 0 : i32
    %dma_wait3A_676 = tpu.memref_slice %arg3[%dma_wait3A_672, %dma_wait3A_675] : memref<16x2048xf32, #tpu.memory_space<vmem>> -> memref<1x2048xf32, #tpu.memory_space<vmem>>
    %dma_wait3A_677 = tpu.memref_squeeze %dma_wait3A_676 : memref<1x2048xf32, #tpu.memory_space<vmem>> -> memref<2048xf32, #tpu.memory_space<vmem>>
    tpu.wait_dma2 semaphore(%arg5 : memref<!tpu.dma_semaphore, #tpu.memory_space<semaphore_mem>>) src(%dma_wait3A_677 : memref<2048xf32, #tpu.memory_space<vmem>>) dst(%dma_wait3A_674 : memref<2048xf32, #tpu.memory_space<any>>)
    %dma_wait3A_678 = arith.constant 2 : i32
    %dma_wait3A_679 = arith.constant 4096 : i32
    %dma_wait3A_680 = tpu.memref_slice %arg1[%dma_wait3A_679] : memref<32768xf32, #tpu.memory_space<any>> -> memref<2048xf32, #tpu.memory_space<any>>
    %dma_wait3A_681 = arith.constant 0 : i32
    %dma_wait3A_682 = tpu.memref_slice %arg3[%dma_wait3A_678, %dma_wait3A_681] : memref<16x2048xf32, #tpu.memory_space<vmem>> -> memref<1x2048xf32, #tpu.memory_space<vmem>>
    %dma_wait3A_683 = tpu.memref_squeeze %dma_wait3A_682 : memref<1x2048xf32, #tpu.memory_space<vmem>> -> memref<2048xf32, #tpu.memory_space<vmem>>
    tpu.wait_dma2 semaphore(%arg5 : memref<!tpu.dma_semaphore, #tpu.memory_space<semaphore_mem>>) src(%dma_wait3A_683 : memref<2048xf32, #tpu.memory_space<vmem>>) dst(%dma_wait3A_680 : memref<2048xf32, #tpu.memory_space<any>>)
    %dma_wait3A_684 = arith.constant 3 : i32
    %dma_wait3A_685 = arith.constant 6144 : i32
    %dma_wait3A_686 = tpu.memref_slice %arg1[%dma_wait3A_685] : memref<32768xf32, #tpu.memory_space<any>> -> memref<2048xf32, #tpu.memory_space<any>>
    %dma_wait3A_687 = arith.constant 0 : i32
    %dma_wait3A_688 = tpu.memref_slice %arg3[%dma_wait3A_684, %dma_wait3A_687] : memref<16x2048xf32, #tpu.memory_space<vmem>> -> memref<1x2048xf32, #tpu.memory_space<vmem>>
    %dma_wait3A_689 = tpu.memref_squeeze %dma_wait3A_688 : memref<1x2048xf32, #tpu.memory_space<vmem>> -> memref<2048xf32, #tpu.memory_space<vmem>>
    tpu.wait_dma2 semaphore(%arg5 : memref<!tpu.dma_semaphore, #tpu.memory_space<semaphore_mem>>) src(%dma_wait3A_689 : memref<2048xf32, #tpu.memory_space<vmem>>) dst(%dma_wait3A_686 : memref<2048xf32, #tpu.memory_space<any>>)
    %dma_wait3A_690 = arith.constant 4 : i32
    %dma_wait3A_691 = arith.constant 8192 : i32
    %dma_wait3A_692 = tpu.memref_slice %arg1[%dma_wait3A_691] : memref<32768xf32, #tpu.memory_space<any>> -> memref<2048xf32, #tpu.memory_space<any>>
    %dma_wait3A_693 = arith.constant 0 : i32
    %dma_wait3A_694 = tpu.memref_slice %arg3[%dma_wait3A_690, %dma_wait3A_693] : memref<16x2048xf32, #tpu.memory_space<vmem>> -> memref<1x2048xf32, #tpu.memory_space<vmem>>
    %dma_wait3A_695 = tpu.memref_squeeze %dma_wait3A_694 : memref<1x2048xf32, #tpu.memory_space<vmem>> -> memref<2048xf32, #tpu.memory_space<vmem>>
    tpu.wait_dma2 semaphore(%arg5 : memref<!tpu.dma_semaphore, #tpu.memory_space<semaphore_mem>>) src(%dma_wait3A_695 : memref<2048xf32, #tpu.memory_space<vmem>>) dst(%dma_wait3A_692 : memref<2048xf32, #tpu.memory_space<any>>)
    %dma_wait3A_696 = arith.constant 5 : i32
    %dma_wait3A_697 = arith.constant 10240 : i32
    %dma_wait3A_698 = tpu.memref_slice %arg1[%dma_wait3A_697] : memref<32768xf32, #tpu.memory_space<any>> -> memref<2048xf32, #tpu.memory_space<any>>
    %dma_wait3A_699 = arith.constant 0 : i32
    %dma_wait3A_700 = tpu.memref_slice %arg3[%dma_wait3A_696, %dma_wait3A_699] : memref<16x2048xf32, #tpu.memory_space<vmem>> -> memref<1x2048xf32, #tpu.memory_space<vmem>>
    %dma_wait3A_701 = tpu.memref_squeeze %dma_wait3A_700 : memref<1x2048xf32, #tpu.memory_space<vmem>> -> memref<2048xf32, #tpu.memory_space<vmem>>
    tpu.wait_dma2 semaphore(%arg5 : memref<!tpu.dma_semaphore, #tpu.memory_space<semaphore_mem>>) src(%dma_wait3A_701 : memref<2048xf32, #tpu.memory_space<vmem>>) dst(%dma_wait3A_698 : memref<2048xf32, #tpu.memory_space<any>>)
    %dma_wait3A_702 = arith.constant 6 : i32
    %dma_wait3A_703 = arith.constant 12288 : i32
    %dma_wait3A_704 = tpu.memref_slice %arg1[%dma_wait3A_703] : memref<32768xf32, #tpu.memory_space<any>> -> memref<2048xf32, #tpu.memory_space<any>>
    %dma_wait3A_705 = arith.constant 0 : i32
    %dma_wait3A_706 = tpu.memref_slice %arg3[%dma_wait3A_702, %dma_wait3A_705] : memref<16x2048xf32, #tpu.memory_space<vmem>> -> memref<1x2048xf32, #tpu.memory_space<vmem>>
    %dma_wait3A_707 = tpu.memref_squeeze %dma_wait3A_706 : memref<1x2048xf32, #tpu.memory_space<vmem>> -> memref<2048xf32, #tpu.memory_space<vmem>>
    tpu.wait_dma2 semaphore(%arg5 : memref<!tpu.dma_semaphore, #tpu.memory_space<semaphore_mem>>) src(%dma_wait3A_707 : memref<2048xf32, #tpu.memory_space<vmem>>) dst(%dma_wait3A_704 : memref<2048xf32, #tpu.memory_space<any>>)
    %dma_wait3A_708 = arith.constant 7 : i32
    %dma_wait3A_709 = arith.constant 14336 : i32
    %dma_wait3A_710 = tpu.memref_slice %arg1[%dma_wait3A_709] : memref<32768xf32, #tpu.memory_space<any>> -> memref<2048xf32, #tpu.memory_space<any>>
    %dma_wait3A_711 = arith.constant 0 : i32
    %dma_wait3A_712 = tpu.memref_slice %arg3[%dma_wait3A_708, %dma_wait3A_711] : memref<16x2048xf32, #tpu.memory_space<vmem>> -> memref<1x2048xf32, #tpu.memory_space<vmem>>
    %dma_wait3A_713 = tpu.memref_squeeze %dma_wait3A_712 : memref<1x2048xf32, #tpu.memory_space<vmem>> -> memref<2048xf32, #tpu.memory_space<vmem>>
    tpu.wait_dma2 semaphore(%arg5 : memref<!tpu.dma_semaphore, #tpu.memory_space<semaphore_mem>>) src(%dma_wait3A_713 : memref<2048xf32, #tpu.memory_space<vmem>>) dst(%dma_wait3A_710 : memref<2048xf32, #tpu.memory_space<any>>)
    %dma_wait3A_714 = arith.constant 8 : i32
    %dma_wait3A_715 = arith.constant 16384 : i32
    %dma_wait3A_716 = tpu.memref_slice %arg1[%dma_wait3A_715] : memref<32768xf32, #tpu.memory_space<any>> -> memref<2048xf32, #tpu.memory_space<any>>
    %dma_wait3A_717 = arith.constant 0 : i32
    %dma_wait3A_718 = tpu.memref_slice %arg3[%dma_wait3A_714, %dma_wait3A_717] : memref<16x2048xf32, #tpu.memory_space<vmem>> -> memref<1x2048xf32, #tpu.memory_space<vmem>>
    %dma_wait3A_719 = tpu.memref_squeeze %dma_wait3A_718 : memref<1x2048xf32, #tpu.memory_space<vmem>> -> memref<2048xf32, #tpu.memory_space<vmem>>
    tpu.wait_dma2 semaphore(%arg5 : memref<!tpu.dma_semaphore, #tpu.memory_space<semaphore_mem>>) src(%dma_wait3A_719 : memref<2048xf32, #tpu.memory_space<vmem>>) dst(%dma_wait3A_716 : memref<2048xf32, #tpu.memory_space<any>>)
    %dma_wait3A_720 = arith.constant 9 : i32
    %dma_wait3A_721 = arith.constant 18432 : i32
    %dma_wait3A_722 = tpu.memref_slice %arg1[%dma_wait3A_721] : memref<32768xf32, #tpu.memory_space<any>> -> memref<2048xf32, #tpu.memory_space<any>>
    %dma_wait3A_723 = arith.constant 0 : i32
    %dma_wait3A_724 = tpu.memref_slice %arg3[%dma_wait3A_720, %dma_wait3A_723] : memref<16x2048xf32, #tpu.memory_space<vmem>> -> memref<1x2048xf32, #tpu.memory_space<vmem>>
    %dma_wait3A_725 = tpu.memref_squeeze %dma_wait3A_724 : memref<1x2048xf32, #tpu.memory_space<vmem>> -> memref<2048xf32, #tpu.memory_space<vmem>>
    tpu.wait_dma2 semaphore(%arg5 : memref<!tpu.dma_semaphore, #tpu.memory_space<semaphore_mem>>) src(%dma_wait3A_725 : memref<2048xf32, #tpu.memory_space<vmem>>) dst(%dma_wait3A_722 : memref<2048xf32, #tpu.memory_space<any>>)
    %dma_wait3A_726 = arith.constant 10 : i32
    %dma_wait3A_727 = arith.constant 20480 : i32
    %dma_wait3A_728 = tpu.memref_slice %arg1[%dma_wait3A_727] : memref<32768xf32, #tpu.memory_space<any>> -> memref<2048xf32, #tpu.memory_space<any>>
    %dma_wait3A_729 = arith.constant 0 : i32
    %dma_wait3A_730 = tpu.memref_slice %arg3[%dma_wait3A_726, %dma_wait3A_729] : memref<16x2048xf32, #tpu.memory_space<vmem>> -> memref<1x2048xf32, #tpu.memory_space<vmem>>
    %dma_wait3A_731 = tpu.memref_squeeze %dma_wait3A_730 : memref<1x2048xf32, #tpu.memory_space<vmem>> -> memref<2048xf32, #tpu.memory_space<vmem>>
    tpu.wait_dma2 semaphore(%arg5 : memref<!tpu.dma_semaphore, #tpu.memory_space<semaphore_mem>>) src(%dma_wait3A_731 : memref<2048xf32, #tpu.memory_space<vmem>>) dst(%dma_wait3A_728 : memref<2048xf32, #tpu.memory_space<any>>)
    %dma_wait3A_732 = arith.constant 11 : i32
    %dma_wait3A_733 = arith.constant 22528 : i32
    %dma_wait3A_734 = tpu.memref_slice %arg1[%dma_wait3A_733] : memref<32768xf32, #tpu.memory_space<any>> -> memref<2048xf32, #tpu.memory_space<any>>
    %dma_wait3A_735 = arith.constant 0 : i32
    %dma_wait3A_736 = tpu.memref_slice %arg3[%dma_wait3A_732, %dma_wait3A_735] : memref<16x2048xf32, #tpu.memory_space<vmem>> -> memref<1x2048xf32, #tpu.memory_space<vmem>>
    %dma_wait3A_737 = tpu.memref_squeeze %dma_wait3A_736 : memref<1x2048xf32, #tpu.memory_space<vmem>> -> memref<2048xf32, #tpu.memory_space<vmem>>
    tpu.wait_dma2 semaphore(%arg5 : memref<!tpu.dma_semaphore, #tpu.memory_space<semaphore_mem>>) src(%dma_wait3A_737 : memref<2048xf32, #tpu.memory_space<vmem>>) dst(%dma_wait3A_734 : memref<2048xf32, #tpu.memory_space<any>>)
    %dma_wait3A_738 = arith.constant 12 : i32
    %dma_wait3A_739 = arith.constant 24576 : i32
    %dma_wait3A_740 = tpu.memref_slice %arg1[%dma_wait3A_739] : memref<32768xf32, #tpu.memory_space<any>> -> memref<2048xf32, #tpu.memory_space<any>>
    %dma_wait3A_741 = arith.constant 0 : i32
    %dma_wait3A_742 = tpu.memref_slice %arg3[%dma_wait3A_738, %dma_wait3A_741] : memref<16x2048xf32, #tpu.memory_space<vmem>> -> memref<1x2048xf32, #tpu.memory_space<vmem>>
    %dma_wait3A_743 = tpu.memref_squeeze %dma_wait3A_742 : memref<1x2048xf32, #tpu.memory_space<vmem>> -> memref<2048xf32, #tpu.memory_space<vmem>>
    tpu.wait_dma2 semaphore(%arg5 : memref<!tpu.dma_semaphore, #tpu.memory_space<semaphore_mem>>) src(%dma_wait3A_743 : memref<2048xf32, #tpu.memory_space<vmem>>) dst(%dma_wait3A_740 : memref<2048xf32, #tpu.memory_space<any>>)
    %dma_wait3A_744 = arith.constant 13 : i32
    %dma_wait3A_745 = arith.constant 26624 : i32
    %dma_wait3A_746 = tpu.memref_slice %arg1[%dma_wait3A_745] : memref<32768xf32, #tpu.memory_space<any>> -> memref<2048xf32, #tpu.memory_space<any>>
    %dma_wait3A_747 = arith.constant 0 : i32
    %dma_wait3A_748 = tpu.memref_slice %arg3[%dma_wait3A_744, %dma_wait3A_747] : memref<16x2048xf32, #tpu.memory_space<vmem>> -> memref<1x2048xf32, #tpu.memory_space<vmem>>
    %dma_wait3A_749 = tpu.memref_squeeze %dma_wait3A_748 : memref<1x2048xf32, #tpu.memory_space<vmem>> -> memref<2048xf32, #tpu.memory_space<vmem>>
    tpu.wait_dma2 semaphore(%arg5 : memref<!tpu.dma_semaphore, #tpu.memory_space<semaphore_mem>>) src(%dma_wait3A_749 : memref<2048xf32, #tpu.memory_space<vmem>>) dst(%dma_wait3A_746 : memref<2048xf32, #tpu.memory_space<any>>)
    %dma_wait3A_750 = arith.constant 14 : i32
    %dma_wait3A_751 = arith.constant 28672 : i32
    %dma_wait3A_752 = tpu.memref_slice %arg1[%dma_wait3A_751] : memref<32768xf32, #tpu.memory_space<any>> -> memref<2048xf32, #tpu.memory_space<any>>
    %dma_wait3A_753 = arith.constant 0 : i32
    %dma_wait3A_754 = tpu.memref_slice %arg3[%dma_wait3A_750, %dma_wait3A_753] : memref<16x2048xf32, #tpu.memory_space<vmem>> -> memref<1x2048xf32, #tpu.memory_space<vmem>>
    %dma_wait3A_755 = tpu.memref_squeeze %dma_wait3A_754 : memref<1x2048xf32, #tpu.memory_space<vmem>> -> memref<2048xf32, #tpu.memory_space<vmem>>
    tpu.wait_dma2 semaphore(%arg5 : memref<!tpu.dma_semaphore, #tpu.memory_space<semaphore_mem>>) src(%dma_wait3A_755 : memref<2048xf32, #tpu.memory_space<vmem>>) dst(%dma_wait3A_752 : memref<2048xf32, #tpu.memory_space<any>>)
    %dma_wait3A_756 = arith.constant 15 : i32
    %dma_wait3A_757 = arith.constant 30720 : i32
    %dma_wait3A_758 = tpu.memref_slice %arg1[%dma_wait3A_757] : memref<32768xf32, #tpu.memory_space<any>> -> memref<2048xf32, #tpu.memory_space<any>>
    %dma_wait3A_759 = arith.constant 0 : i32
    %dma_wait3A_760 = tpu.memref_slice %arg3[%dma_wait3A_756, %dma_wait3A_759] : memref<16x2048xf32, #tpu.memory_space<vmem>> -> memref<1x2048xf32, #tpu.memory_space<vmem>>
    %dma_wait3A_761 = tpu.memref_squeeze %dma_wait3A_760 : memref<1x2048xf32, #tpu.memory_space<vmem>> -> memref<2048xf32, #tpu.memory_space<vmem>>
    tpu.wait_dma2 semaphore(%arg5 : memref<!tpu.dma_semaphore, #tpu.memory_space<semaphore_mem>>) src(%dma_wait3A_761 : memref<2048xf32, #tpu.memory_space<vmem>>) dst(%dma_wait3A_758 : memref<2048xf32, #tpu.memory_space<any>>)
    return
  }
}

</mosaic_0001>

<sc_bundles>
// kernel: kernel.4.cloned.1.call-start
scs
__scs_entry_jumppad:
0x0: {  	(pc) =	sbr.rel $0x88, $3  }
0x1: {  	(tag) =	ssettag $0x0;
	lr =	simm.s32 $0x1  }
0x2: {  	[smem:$0x3F9F] =	sst lr;
	_ =	strace $0xD0000000  }
0x3: {  	_ = 	snop  }
0x4: {  	_ = 	snop  }
0x5: {  	_ = 	snop  }
0x6: {  	_ = 	snop  }
0x7: {  	_ = 	snop  }
__scs_overlays_trampoline_lowered:
0x8: {  	[smem:$0x3FAE] =	sst s0  }
0x9: {  	[smem:$0x3FAF] =	sst s1  }
0xa: {  	[smem:$0x3FB0] =	sst s2  }
0xb: {  	[smem:$0x3FB1] =	sst s3  }
0xc: {  	[smem:$0x3FB2] =	sst s4  }
0xd: {  	[smem:$0x3FB3] =	sst s5  }
0xe: {  	[smem:$0x3FB4] =	sst s6  }
0xf: {  	[smem:$0x3FB5] =	sst s7  }
0x10: {  	[smem:$0x3FB6] =	sst s8  }
0x11: {  	[smem:$0x3FB7] =	sst s9;
	s0 =	simm.s32 @!p0 $0x0  }
0x12: {  	s1 =	sld [smem:$0x3F9D];
	s0 =	simm.s32 @p0 $0x1  }
0x13: {  	[smem:$0x3FB8] =	sst s0;
	s0 =	simm.s32 @!p1 $0x0  }
0x14: {  	s2 =	sld [smem:$0x3F9C];
	s0 =	simm.s32 @p1 $0x1  }
0x15: {  	[smem:$0x3FB9] =	sst s0;
	s0 =	simm.s32 @!p2 $0x0  }
0x16: {  	s3 =	sld [smem:$0x3FDB];
	s0 =	simm.s32 @p2 $0x1  }
0x17: {  	s4 =	simm.s32 $0x1BF5;
	[smem:$0x3FBB] =	sst s0  }
0x18: {  	s0 =	sld [smem:$0x3F9E];
	_ =	swait.ge [sflag:s4], $0x0  }
0x19: {  	s7 =	sld [smem:$0x3F9F]  }
0x1a: {  	s8 =	sadd.s32 $0xFFFFE003, lr  }
0x1b: {  	s9 =	sadd.s32 $0xFFFFFEF7, lr;
	s5 =	simm.s32 $0xFFFFFFFF;
	p2 =	slt.u32 s8, $0xFFFFF086  }
0x1c: {  	p1 =	slt.u32 s9, $0xF7A;
	s5 =	simm.s32 @!p2 $0x0  }
0x1d: {  	s5 =	simm.s32 @p1 $0x1;
	p0 =	seq.s32 s7, s2  }
0x1e: {  	s7 =	smul.u32 @!p0 $0xF7A, s2;
	p2 =	seq.s32 @!p0 s5, $0x0  }
0x1f: {  	s9 =	smul.u32 $0xF7A, s1;
	s8 =	simm.s32 @!p0 $0x1BF5;
	p2 =	por !p2, p0  }
0x20: {  	[sflag:s8] =	ssyncset.s32 @!p0 $0xFFFFF086;
	s6 =	sadd.s32 @!p0 s3, s7;
	s7 =	simm.s32 @!p0 $0x108  }
0x21: {  	s3 =	sadd.s32 s3, s9;
	s6 =	sadd.s32 @!p0 $0x88, s6;
	s7 =	simm.s32 @p2 $0x1082  }
0x22: {  	[simem:s7], [sflag:s8] =	dma.local @!p0 [hbm:s6], $0xF7A  }
0x23: {  	s9 =	sor.u32 $0xD0000000, s2;
	s6 =	simm.s32 $0x108;
	_ =	swait.ge @!p0 [sflag:s8], $0x0  }
0x24: {  	s3 =	sadd.s32 $0x88, s3;
	s6 =	simm.s32 @!p1 $0x1082;
	[sflag:s4] =	ssyncset.s32 $0xFFFFF086  }
0x25: {  	[simem:s6], [sflag:s4] =	dma.local [hbm:s3], $0xF7A  }
0x26: {  	[smem:$0x3F9F] =	sst s1;
	(tag) =	ssettag s2;
	_ =	strace s9  }
0x27: {  	s1 =	sld [smem:$0x3FAF]  }
0x28: {  	s2 =	sld [smem:$0x3FB0]  }
0x29: {  	s4 =	sld [smem:$0x3FB2]  }
0x2a: {  	p0 =	seq.s32 s5, $0x0;
	s5 =	sld [smem:$0x3FB3]  }
0x2b: {  	s6 =	sld [smem:$0x3FB4]  }
0x2c: {  	s7 =	sld [smem:$0x3FB5]  }
0x2d: {  	s3 =	simm.s32 $0x108;
	s8 =	sld [smem:$0x3FB6]  }
0x2e: {  	s3 =	simm.s32 @!p0 $0x1082;
	s9 =	sld [smem:$0x3FB7]  }
0x2f: {  	lr =	sadd.s32 s0, s3;
	s0 =	sld [smem:$0x3FAE]  }
0x30: {  	s3 =	sld [smem:$0x3FB1]  }
0x31: {  	[smem:$0x3FBA] =	sst s10  }
0x32: {  	s10 =	sld [smem:$0x3FB8];
	_ =	sdelay $0x3  }
0x33: {  	p0 =	seq.s32 s10, $0x1;
	s10 =	sld [smem:$0x3FBA];
	_ =	sdelay $0x3  }
0x34: {  	[smem:$0x3FBA] =	sst s10  }
0x35: {  	s10 =	sld [smem:$0x3FB9];
	_ =	sdelay $0x3  }
0x36: {  	p1 =	seq.s32 s10, $0x1;
	s10 =	sld [smem:$0x3FBA];
	_ =	sdelay $0x3  }
0x37: {  	[smem:$0x3FBA] =	sst s10  }
0x38: {  	s10 =	sld [smem:$0x3FBB]  }
0x39: {  	_ = 	snop;
	(pc) =	sbr.ind lr, $3  }
0x3a: {  	_ = 	snop  }
0x3b: {  	_ = 	snop  }
0x3c: {  	p2 =	seq.s32 s10, $0x1;
	s10 =	sld [smem:$0x3FBA]  }
0x3d: {  	_ =	shalt  }
0x3e: {  	_ =	shalt  }
0x3f: {  	_ =	shalt  }
0x40: {  	_ =	shalt  }
0x41: {  	_ =	shalt  }
0x42: {  	_ =	shalt  }
0x43: {  	_ =	shalt  }
0x44: {  	_ =	shalt  }
0x45: {  	_ =	shalt  }
0x46: {  	_ =	shalt  }
0x47: {  	_ =	shalt  }
0x48: {  	_ =	shalt  }
0x49: {  	_ =	shalt  }
0x4a: {  	_ =	shalt  }
0x4b: {  	_ =	shalt  }
0x4c: {  	_ =	shalt  }
0x4d: {  	_ =	shalt  }
0x4e: {  	_ =	shalt  }
0x4f: {  	_ =	shalt  }
0x50: {  	_ =	shalt  }
0x51: {  	_ =	shalt  }
0x52: {  	_ =	shalt  }
0x53: {  	_ =	shalt  }
0x54: {  	_ =	shalt  }
0x55: {  	_ =	shalt  }
0x56: {  	_ =	shalt  }
0x57: {  	_ =	shalt  }
0x58: {  	_ =	shalt  }
0x59: {  	_ =	shalt  }
0x5a: {  	_ =	shalt  }
0x5b: {  	_ =	shalt  }
0x5c: {  	_ =	shalt  }
0x5d: {  	_ =	shalt  }
0x5e: {  	_ =	shalt  }
0x5f: {  	_ =	shalt  }
0x60: {  	_ =	shalt  }
0x61: {  	_ =	shalt  }
0x62: {  	_ =	shalt  }
0x63: {  	_ =	shalt  }
0x64: {  	_ =	shalt  }
0x65: {  	_ =	shalt  }
0x66: {  	_ =	shalt  }
0x67: {  	_ =	shalt  }
0x68: {  	_ =	shalt  }
0x69: {  	_ =	shalt  }
0x6a: {  	_ =	shalt  }
0x6b: {  	_ =	shalt  }
0x6c: {  	_ =	shalt  }
0x6d: {  	_ =	shalt  }
0x6e: {  	_ =	shalt  }
0x6f: {  	_ =	shalt  }
0x70: {  	_ =	shalt  }
0x71: {  	_ =	shalt  }
0x72: {  	_ =	shalt  }
0x73: {  	_ =	shalt  }
0x74: {  	_ =	shalt  }
0x75: {  	_ =	shalt  }
0x76: {  	_ =	shalt  }
0x77: {  	_ =	shalt  }
0x78: {  	_ =	shalt  }
0x79: {  	_ =	shalt  }
0x7a: {  	_ =	shalt  }
0x7b: {  	_ =	shalt  }
0x7c: {  	_ =	shalt  }
0x7d: {  	_ =	shalt  }
0x7e: {  	_ =	shalt  }
0x7f: {  	_ =	shalt  }
0x80: {  	_ =	shalt  }
0x81: {  	_ =	shalt  }
0x82: {  	_ =	shalt  }
0x83: {  	_ =	shalt  }
0x84: {  	_ =	shalt  }
0x85: {  	_ =	shalt  }
0x86: {  	_ =	shalt  }
0x87: {  	_ =	shalt  }
.Lfunc_end0:
.L_simem_size_0:
called_computation_lowered:
.L_overlay_start_0:
0x88: {  	s2 =	sld [smem:$0x3FD9]  }
0x89: {  	s3 =	sld [smem:$0x3FFE];
	_ =	sdelay $0x1  }
0x8a: {  	s1 =	srdreg.scid  }
0x8b: {  	s0 =	sand.u32 $0x1, s1  }
0x8c: {  	s17 =	sshll.u32 s0, $0xA;
	s2 =	sadd.s32 s3, s2  }
0x8d: {  	s2 =	sadd.s32 s2, s17  }
0x8e: {  	[smem:$0x3FC6] =	sst s2  }
0x8f: {  	_ = 	snop  }
0x90: {  	s2 =	sld [smem:$0x3FC8]  }
0x91: {  	s18 =	sld [smem:$0x3FD0];
	(tm) =	ssettm $0x1  }
0x92: {  	s4 =	sld [smem:$0x3FFB];
	_ =	sdelay $0x3  }
0x93: {  	_ =	strace s4  }
0x94: {  	s4 =	sld [smem:$0x3FFC];
	_ =	sdelay $0x3  }
0x95: {  	_ =	strace s4  }
0x96: {  	s4 =	sld [smem:$0x3FFD];
	_ =	sdelay $0x3  }
0x97: {  	_ =	strace s4  }
0x98: {  	_ =	strace $0x8FFFFFFF  }
0x99: {  	s19 =	sld [smem:$0x3FDB];
	_ =	sdelay $0x1  }
0x9a: {  	s5 =	simm.s32 $_scs_section_size  }
0x9b: {  	s6 =	simm.s32 $_size__tile_overlayer_lowered;
	s7 =	simm.s32 $_tile_overlayer_lowered  }
0x9c: {  	s22 =	simm.s32 $0x1BFF;
	s21 =	sshll.u32 s7, $0x1;
	s4 =	sadd.s32 s5, s19  }
0x9d: {  	s8 =	simm.s32 $0x0;
	s20 =	sshll.u32 s6, $0x1;
	s6 =	sadd.s32 s21, s4  }
0x9e: {  	[timem:s8], [sflag:s22] =	dma.local [hbm:s6], s20  }
0x9f: {  	_ =	swait.ge [sflag:s22], s20  }
0xa0: {  	s5 =	ssub.s32 $0x0, s20;
	[sflag:s22] =	ssyncset.done $0x0  }
0xa1: {  	[sflag:s22] =	ssyncadd.s32 s5;
	_ =	sdelay $0x1  }
0xa2: {  	s23 =	simm.s32 $0x1B8B  }
0xa3: {  	_ =	swait.ge [sflag:s23], $0x1  }
0xa4: {  	[sflag:s23] =	ssyncset.done $0x0  }
0xa5: {  	s25 =	simm.s32 $0x1B8E;
	s24 =	sld [smem:$0x3FFE];
	[sflag:s23] =	ssyncadd.s32 $0xFFFFFFFF  }
0xa6: {  	s26 =	simm.s32 $execute0_lowered;
	[smem:$0x3FD2] =	sst s25  }
0xa7: {  	s6 =	sshll.u32 s26, $0x1;
	_ =	strace $0x80000046;
	[dreg:$0x1] =	wrdreg $0xFFFFFFFF  }
0xa8: {  	s28 =	simm.s32 $_size_execute0_lowered;
	s4 =	sadd.s32 s4, s6;
	[dreg:$0x0] =	wrdreg $0x0  }
0xa9: {  	s6 =	sshll.u32 s28, $0x1;
	[dreg:$0x2] =	wrdreg s4  }
0xaa: {  	[dreg:$0x3] =	wrdreg s6  }
0xab: {  	[dreg:$0x4] =	wrdreg $0xC0  }
0xac: {  	_ =	task [dreg:s8], $0x5FFFF  }
0xad: {  	[dreg:$0x1] =	wrdreg $0xFFFFFFFF  }
0xae: {  	[dreg:$0x0] =	wrdreg $0x60  }
0xaf: {  	[dreg:$0x2] =	wrdreg s24  }
0xb0: {  	[dreg:$0x3] =	wrdreg s2  }
0xb1: {  	[dreg:$0x4] =	wrdreg s18  }
0xb2: {  	[dreg:$0x5] =	wrdreg $0x9  }
0xb3: {  	_ =	task.clear_ibuf [dreg:s8], $0x6FFFF;
	_ =	strace $0x90000046  }
0xb4: {  	s29 =	simm.s32 $0x9;
	_ =	strace $0x80000048  }
0xb5: {  	_ =	swait.ge [sflag:s29], $0x1  }
0xb6: {  	[sflag:s29] =	ssyncadd.s32 $0xFFFFFFFF  }
0xb7: {  	_ =	strace $0x90000048  }
0xb8: {  	_ =	sfence  }
0xb9: {  	s30 =	sld [smem:$0x0];
	_ =	sdelay $0x2  }
0xba: {  	s31 =	sshll.u32 s1, $0xD;
	s1 =	sshrl.u32 s1, $0x2  }
0xbb: {  	s3 =	sand.u32 $0x4000, s31;
	s1 =	sadd.s32 s1, s30  }
0xbc: {  	s0 =	sor.u32 s3, s0;
	s1 =	sshll.u32 s1, $0x11  }
0xbd: {  	s0 =	sor.u32 s1, s0  }
0xbe: {  	s0 =	sadd.s32 $0x8F2B, s0  }
0xbf: {  	[sflag:s0] =	ssyncadd.remote.s32 $0x1  }
0xc0: {  	_ =	sfence.sel $0xFFFF  }
0xc1: {  	[dreg:$0x0] =	wrdreg $0xFFFFFFFF;
	(pc) =	sbr.abs _section_cstart, $3  }
0xc2: {  	[dreg:$0x1] =	wrdreg $0xFFFFFFFF  }
0xc3: {  	_ =	task.clear_ibuf [dreg:s8], $0x2FFFF;
	_ =	strace $0x9FFFFFFF  }
0xc4: {  	(tm) =	ssettm $0x7FFFFFFF  }
0xc5: {  	_ =	shalt  }
tec
execute0_lowered:
.L_overlay_start_1:
0x0: {  	(tag) =	ssettag $0x1  }
0x1: {  	s3 =	rddreg [dreg:$0x0]  }
0x2: {  	s4 =	rddreg [dreg:$0x1]  }
0x3: {  	s5 =	rddreg [dreg:$0x2]  }
0x4: {  	s1 =	srdreg.scid;
	s0 =	rddreg [dreg:$0x3];
	s2 =	simm.s32 $0x0  }
0x5: {  	s11 =	simm.s32 $0x2800;
	s12 =	simm.s32 $0x0;
	s6 =	sand.u32 $0x1, s1  }
0x6: {  	s1 =	stileid.u32;
	[smem:$0x7FF] =	sst s2;
	s7 =	ssub.s32 $0x2, s6  }
0x7: {  	s8 =	sshll.u32 s1, $0x8;
	_ =	strace $0x80000047;
	s29 =	sshll.u32 s6, $0xD  }
0x8: {  	s30 =	sshll.u32 s1, $0xB;
	s10 =	sshll.u32 s1, $0x4;
	s6 =	sshll.u32 s6, $0xA  }
0x9: {  	s9 =	sshrl.u32 s7, $0x1;
	s3 =	sadd.s32 s8, s3;
	s5 =	sadd.s32 s5, s29  }
0xa: {  	s31 =	sand.u32 $0x70, s10;
	s4 =	sadd.s32 s4, s6;
	s8 =	simm.s32 $0x800  }
0xb: {  	s10 =	simm.s32 $0x400;
	s7 =	ssub.s32 s7, s9;
	s9 =	sand.u32 $0x4000, s30  }
0xc: {  	s3 =	sadd.s32 $0x600, s3;
	s5 =	sadd.s32 s9, s5;
	s6 =	smax.u32 s7, $0x1  }
0xd: {  	s7 =	simm.s32 $0x1;
	s9 =	simm.s32 $0x80;
	s5 =	sadd.s32 s31, s5  }
.LBB2_1:
0xe: {  	[tilespmem:s2], [sflag:$0x1] =	stream.linear.gather [hbm4b:s3+s2], $0x800, $0x38;
	[tilespmem:$0x4800] =	vst v63  }
0xf: {  	_ =	swait.ge [sflag:s7], $0x800  }
0x10: {  	[sflag:s7] =	ssyncset.done $0x0  }
0x11: {  	[sflag:s7] =	ssyncadd.s32 $0xFFFFF800  }
0x12: {  	[tilespmem:s8], [sflag:$0x1] =	stream.linear.gather [hbm4b:s4+s2], $0x2000, $0x38;
	[tilespmem:$0x4800] =	vst v63  }
0x13: {  	_ =	swait.ge [sflag:s7], $0x2000  }
0x14: {  	[sflag:s7] =	ssyncset.done $0x0  }
0x15: {  	s13 =	simm.s32 $0x840;
	[sflag:s7] =	ssyncadd.s32 $0xFFFFE000  }
0x16: {  	v0 =	vld [tilespmem:s13+$0x30]  }
0x17: {  	v1 =	vld [tilespmem:s13+$0xFFFFFFD0]  }
0x18: {  	v2 =	vld [tilespmem:s13+$0xFFFFFFE0]  }
0x19: {  	v3 =	vld [tilespmem:s13+$0xFFFFFFF0]  }
0x1a: {  	v4 =	vld [tilespmem:s13+$0x0]  }
0x1b: {  	v6 =	vld [tilespmem:s13+$0x10]  }
0x1c: {  	v7 =	vld [tilespmem:s13+$0x20]  }
0x1d: {  	v8 =	vld [tilespmem:s13+$0xFFFFFFC0]  }
0x1e: {  	v9 =	vld.idx.msk [tilespmem:v0+s2+$0x0], $0xffff  }
0x1f: {  	v10 =	vld.idx.msk [tilespmem:v1+s2+$0x0], $0xffff  }
0x20: {  	v5 =	vld.idx.msk [tilespmem:v2+s2+$0x0], $0xffff  }
0x21: {  	v3 =	vld.idx.msk [tilespmem:v3+s2+$0x0], $0xffff  }
0x22: {  	v0 =	vld.idx.msk [tilespmem:v4+s2+$0x0], $0xffff  }
0x23: {  	s13 =	simm.s32 $0x2840;
	v1 =	vld.idx.msk [tilespmem:v6+s2+$0x0], $0xffff  }
0x24: {  	v2 =	vld.idx.msk [tilespmem:v7+s2+$0x0], $0xffff;
	[tilespmem:s13+$0x30] =	vst v9  }
0x25: {  	s14 =	simm.s32 $0x0;
	s15 =	simm.s32 $0x8C0;
	v4 =	vld.idx.msk [tilespmem:v8+s2+$0x0], $0xffff;
	[tilespmem:s13+$0xFFFFFFD0] =	vst v10  }
.LBB2_2:
0x26: {  	v6 =	vld [tilespmem:s15+$0x30];
	s14 =	sadd.s32 $0x8, s14;
	[tilespmem:s13+$0xFFFFFFE0] =	vst v5  }
0x27: {  	v5 =	vld [tilespmem:s15+$0xFFFFFFD0];
	p0 =	slt.u32 s14, $0x1F8;
	[tilespmem:s13+$0xFFFFFFF0] =	vst v3  }
0x28: {  	v3 =	vld [tilespmem:s15+$0xFFFFFFE0];
	[tilespmem:s13+$0x0] =	vst v0  }
0x29: {  	v0 =	vld [tilespmem:s15+$0xFFFFFFF0];
	[tilespmem:s13+$0x10] =	vst v1  }
0x2a: {  	v1 =	vld [tilespmem:s15+$0x0];
	[tilespmem:s13+$0x20] =	vst v2  }
0x2b: {  	v2 =	vld [tilespmem:s15+$0x10];
	[tilespmem:s13+$0xFFFFFFC0] =	vst v4  }
0x2c: {  	v4 =	vld [tilespmem:s15+$0x20]  }
0x2d: {  	v7 =	vld [tilespmem:s15+$0xFFFFFFC0]  }
0x2e: {  	v6 =	vld.idx.msk [tilespmem:v6+s2+$0x0], $0xffff  }
0x2f: {  	v8 =	vld.idx.msk [tilespmem:v5+s2+$0x0], $0xffff  }
0x30: {  	v5 =	vld.idx.msk [tilespmem:v3+s2+$0x0], $0xffff  }
.Ltmp0:
0x31: {  	v3 =	vld.idx.msk [tilespmem:v0+s2+$0x0], $0xffff;
	(pc) =	sbr.rel @p0 .LBB2_2-.Ltmp0, $4  }
0x32: {  	v0 =	vld.idx.msk [tilespmem:v1+s2+$0x0], $0xffff  }
0x33: {  	s13 =	sadd.s32 $0x80, s13;
	v1 =	vld.idx.msk [tilespmem:v2+s2+$0x0], $0xffff  }
0x34: {  	v2 =	vld.idx.msk [tilespmem:v4+s2+$0x0], $0xffff;
	[tilespmem:s13+$0x30] =	vst v6  }
0x35: {  	s15 =	sadd.s32 $0x80, s15;
	v4 =	vld.idx.msk [tilespmem:v7+s2+$0x0], $0xffff;
	[tilespmem:s13+$0xFFFFFFD0] =	vst v8  }
0x36: {  	[tilespmem:s13+$0xFFFFFFE0] =	vst v5  }
0x37: {  	[tilespmem:s13+$0xFFFFFFF0] =	vst v3  }
0x38: {  	[tilespmem:s13+$0x0] =	vst v0  }
0x39: {  	s12 =	sadd.s32 $0x1, s12;
	[tilespmem:s13+$0x10] =	vst v1  }
0x3a: {  	p0 =	sne.s32 s12, s6;
	[tilespmem:s13+$0x20] =	vst v2  }
.Ltmp1:
0x3b: {  	[tilespmem:s13+$0xFFFFFFC0] =	vst v4;
	(pc) =	sbr.rel @p0 .LBB2_1-.Ltmp1, $4  }
0x3c: {  	[hbm4b:s5+s9] =	stream.strided.scatter [tilespmem:s11], [sflag:$0x1], $0x2000, s10, s9, $0x38;
	[tilespmem:$0x4800] =	vst v63  }
0x3d: {  	_ =	swait.ge [sflag:s7], $0x2000  }
0x3e: {  	[sflag:s7] =	ssyncset.done $0x0  }
0x3f: {  	[sflag:s7] =	ssyncadd.s32 $0xFFFFE000  }
0x40: {  	_ =	sfence.sel $0x180000  }
0x41: {  	[bflag:$0x0] =	sbarrier.arrive $0xFFFF  }
0x42: {  	p0 =	sne.s32 s1, $0x0;
	_ =	strace $0x90000047  }
0x43: {  	s0 =	sadd.s32 @!p0 $0x100000, s0;
	[bflag:$0x2] =	sbarrier.arrive $0xFFFF  }
0x44: {  	[sflag:s0] =	ssyncadd.tile.s32 @!p0 $0x1;
	_ =	shalt  }
.Lfunc_end2:
_tile_overlayer_lowered:
.L_overlay_start_2:
0x45: {  	(tag) =	ssettag $0x2  }
0x46: {  	s0 =	rddreg [dreg:$0x0];
	s2 =	stileid.u32  }
0x47: {  	s1 =	rddreg [dreg:$0x1];
	p0 =	sne.s32 s2, $0x0  }
0x48: {  	s3 =	rddreg [dreg:$0x2];
	[bflag:$0x3] =	sbarrier.arrive $0xFFFF;
	s2 =	simm.s32 @!p0 $0x1C01  }
0x49: {  	[timem:s3], [sflag:s2] =	dma.local @!p0 [hbm:s0], s1  }
0x4a: {  	s0 =	simm.s32 @!p0 $0x1  }
0x4b: {  	_ =	swait.ge @!p0 [sflag:s0], s1  }
0x4c: {  	s1 =	ssub.s32 @!p0 $0x0, s1;
	[sflag:s0] =	ssyncset.done @!p0 $0x0  }
0x4d: {  	[sflag:s0] =	ssyncadd.s32 @!p0 s1  }
0x4e: {  	[bflag:$0x3] =	sbarrier.arrive $0xFFFF  }
0x4f: {  	_ =	shalt  }

</sc_bundles>
